<compile_context>
chip_gen: v7x
topology: tpu7x:2x2x1
jax: 0.10.2.dev20260603
libtpu: 0.0.44.dev20260713+nightly
codegen_flags: <defaults>
</compile_context>

<pallas_src>
import functools

import jax
import jax.numpy as jnp
from jax import lax
from jax.experimental import pallas as pl
from jax.experimental.pallas import tpu as pltpu
from jax.experimental.pallas import tpu_sc as plsc


def _sc_gather_mono(vectors_padded, idx):
    K, C = vectors_padded.shape
    B = idx.shape[0]
    info = plsc.get_sparse_core_info()
    nw = info.num_cores * info.num_subcores
    b_per_w = B // nw
    mesh = plsc.VectorSubcoreMesh(core_axis_name="c", subcore_axis_name="s")

    @functools.partial(
        pl.kernel, mesh=mesh,
        out_type=jax.ShapeDtypeStruct((B, C), jnp.float32),
        scratch_types=[
            pltpu.VMEM((b_per_w,), jnp.int32),
            pltpu.VMEM((b_per_w, C), jnp.float32),
            pltpu.SemaphoreType.DMA,
        ],
    )
    def k(table_hbm, idx_hbm, out_hbm, idx_v, rows_v, sem):
        wid = lax.axis_index("s") * info.num_cores + lax.axis_index("c")
        base = wid * b_per_w
        pltpu.sync_copy(idx_hbm.at[pl.ds(base, b_per_w)], idx_v)
        pltpu.async_copy(table_hbm.at[idx_v], rows_v, sem).wait()
        pltpu.sync_copy(rows_v, out_hbm.at[pl.ds(base, b_per_w)])

    return k(vectors_padded, idx)


_NCHUNK = 8


def _sc_gather_chunked(vectors_padded, idx):
    K, C = vectors_padded.shape
    B = idx.shape[0]
    info = plsc.get_sparse_core_info()
    nw = info.num_cores * info.num_subcores
    b_per_w = B // nw
    cs = b_per_w // _NCHUNK
    mesh = plsc.VectorSubcoreMesh(core_axis_name="c", subcore_axis_name="s")

    idx_scratch = [pltpu.VMEM((cs,), jnp.int32) for _ in range(_NCHUNK)]
    row_scratch = [pltpu.VMEM((cs, C), jnp.float32) for _ in range(_NCHUNK)]

    @functools.partial(
        pl.kernel, mesh=mesh,
        out_type=jax.ShapeDtypeStruct((B, C), jnp.float32),
        scratch_types=idx_scratch + row_scratch + [pltpu.SemaphoreType.DMA],
    )
    def k(table_hbm, idx_hbm, out_hbm, *refs):
        idx_vs = refs[:_NCHUNK]
        row_vs = refs[_NCHUNK:2 * _NCHUNK]
        sem = refs[2 * _NCHUNK]
        wid = lax.axis_index("s") * info.num_cores + lax.axis_index("c")
        base = wid * b_per_w
        for c in range(_NCHUNK):
            pltpu.sync_copy(idx_hbm.at[pl.ds(base + c * cs, cs)], idx_vs[c])
        copies = [pltpu.async_copy(table_hbm.at[idx_vs[c]], row_vs[c], sem)
                  for c in range(_NCHUNK)]
        for cp in copies:
            cp.wait()
        for c in range(_NCHUNK):
            pltpu.sync_copy(row_vs[c], out_hbm.at[pl.ds(base + c * cs, cs)])

    return k(vectors_padded, idx)


@jax.jit
def kernel(x, W_enc, vectors, W_dec, b_dec):
    K, D_CODE = vectors.shape
    rows = x.shape[0] * x.shape[1]
    xf = x.reshape(-1)[:rows]
    idx = jnp.bitwise_and(
        lax.bitcast_convert_type(xf, jnp.int32), K - 1).astype(jnp.int32)
    vpad = jnp.pad(vectors, ((0, 0), (0, 128 - D_CODE)))
    q1 = _sc_gather_mono(vpad, idx)
    idx2 = jnp.bitwise_xor(idx, jnp.bitwise_and(
        lax.bitcast_convert_type(q1[:, 0], jnp.int32), 1023))
    q2 = _sc_gather_chunked(vpad, idx2)
    return q1.sum() + q2.sum()

# --- scband reference (transcript-rebuilt; emitter-appended) ---
"""Pipeline reference for scband-vqvae-58866821759618 (READ-ONLY COPY).

The authoritative reference and input builder live on the scoring server;
editing this copy changes nothing except your own understanding.
"""

import jax, jax.numpy as jnp
import numpy as np

B, T, D_IN = 8, 1024, 256
K, D_CODE = 8192, 32
BETA = 0.25


def setup_inputs(seed: int = 0) -> dict:
    key = jax.random.key(seed)
    k1, k2, k3, k4 = jax.random.split(key, 4)
    x = jax.random.normal(k1, (B, T, D_IN), dtype=jnp.float32)
    # encoder.net: linear projection x -> z (stand-in for LearnableVectorQuantization.net)
    W_enc = jax.random.normal(k2, (D_IN, D_CODE), dtype=jnp.float32) * 0.02
    # encoder.vectors: the learnable codebook
    vectors = jax.random.normal(k3, (K, D_CODE), dtype=jnp.float32)
    # decoder.condition: linear z_q -> Gaussian mean over x (unit variance)
    W_dec = jax.random.normal(k4, (D_CODE, D_IN), dtype=jnp.float32) * 0.02
    b_dec = jnp.zeros((D_IN,), dtype=jnp.float32)
    return {"x": x, "W_enc": W_enc, "vectors": vectors, "W_dec": W_dec, "b_dec": b_dec}


def reference(x, W_enc, vectors, W_dec, b_dec):
    # z = self.encoder.net(x)
    z = jnp.einsum("btd,dc->btc", x, W_enc)
    # indices = self.encoder.codebook_lookup(z)  (nearest codebook vector, L2)
    z_flat = z.reshape(-1, z.shape[-1])  # [B*T, D_CODE]
    dist = (
        jnp.sum(z_flat * z_flat, axis=-1, keepdims=True)
        - 2.0 * z_flat @ vectors.T
        + jnp.sum(vectors * vectors, axis=-1)[None, :]
    )  # [B*T, K]
    indices = jnp.argmin(dist, axis=-1)  # [B*T]
    # quantized = self.encoder.vectors[indices]
    quantized = jnp.take(vectors, indices, axis=0).reshape(z.shape)
    # straight-through estimator: z_q = z + (quantized - z).detach()
    z_q = z + jax.lax.stop_gradient(quantized - z)
    # reconstruction_loss = -self.decoder.condition(z_q).log_prob(x)
    mean = jnp.einsum("btc,cd->btd", z_q, W_dec) + b_dec
    log_prob = -0.5 * jnp.sum((x - mean) ** 2 + jnp.log(2.0 * jnp.pi), axis=-1)  # [B, T]
    reconstruction_loss = -jnp.mean(log_prob)
    # commitment_loss = mean((quantized.detach() - z)**2)
    commitment_loss = jnp.mean((jax.lax.stop_gradient(quantized) - z) ** 2)
    loss = reconstruction_loss + BETA * commitment_loss
    return loss

if __name__ == "__main__":
    import jax
    _d = setup_inputs()
    print(jax.jit(kernel)(*tuple(_d.values())))

</pallas_src>

<mosaic_0001>
#map = affine_map<(d0, d1) -> (0, 0)>
#map1 = affine_map<(d0, d1) -> (0)>
module attributes {stable_mosaic.version = 14 : i64} {
  func.func @k(%arg0: i32, %arg1: i32, %arg2: memref<8192x128xf32, #tpu.memory_space<hbm>>, %arg3: memref<8192xi32, #tpu.memory_space<hbm>>, %arg4: memref<8192x128xf32, #tpu.memory_space<hbm>>, %arg5: memref<256xi32, #tpu.memory_space<vmem>>, %arg6: memref<256x128xf32, #tpu.memory_space<vmem>>, %arg7: memref<!tpu.dma_semaphore, #tpu.memory_space<semaphore_mem>>) attributes {dimension_semantics = [#tpu.dimension_semantics<core_parallel>, #tpu.dimension_semantics<subcore_parallel>], iteration_bounds = array<i64: 2, 16>, scalar_prefetch = 0 : i64, scratch_operands = 3 : i64, tpu.core_type = #tpu.core_type<sc_vector_subcore>, window_params = [{transform_indices = #map}, {transform_indices = #map1}, {transform_indices = #map}]} {
    %mul3A = arith.constant 2 : i32
    %mul3A_0 = arith.muli %arg1, %mul3A : i32
    %add3A = arith.addi %mul3A_0, %arg0 : i32
    %mul3A_1 = arith.constant 256 : i32
    %mul3A_2 = arith.muli %add3A, %mul3A_1 : i32
    "tpu.region"() ({
      %run_scoped3A = tpu.sem_alloc : memref<!tpu.dma_semaphore, #tpu.memory_space<semaphore_mem>>
      %dma_start3A_7 = tpu.memref_slice %arg3[%mul3A_2] : memref<8192xi32, #tpu.memory_space<hbm>> -> memref<256xi32, #tpu.memory_space<hbm>>
      %dma_start3A_8 = tpu.memref_slice %arg3[%mul3A_2] : memref<8192xi32, #tpu.memory_space<hbm>> -> memref<256xi32, #tpu.memory_space<hbm>>
      tpu.enqueue_dma source(%dma_start3A_8 : memref<256xi32, #tpu.memory_space<hbm>>) target(%arg5 : memref<256xi32, #tpu.memory_space<vmem>>) target_semaphore(%run_scoped3A : memref<!tpu.dma_semaphore, #tpu.memory_space<semaphore_mem>>)
      %dma_wait3A_9 = tpu.memref_slice %arg3[%mul3A_2] : memref<8192xi32, #tpu.memory_space<hbm>> -> memref<256xi32, #tpu.memory_space<hbm>>
      %dma_wait3A_10 = tpu.memref_slice %arg3[%mul3A_2] : memref<8192xi32, #tpu.memory_space<hbm>> -> memref<256xi32, #tpu.memory_space<hbm>>
      tpu.wait_dma2 semaphore(%run_scoped3A : memref<!tpu.dma_semaphore, #tpu.memory_space<semaphore_mem>>) src(%dma_wait3A_10 : memref<256xi32, #tpu.memory_space<hbm>>) dst(%arg5 : memref<256xi32, #tpu.memory_space<vmem>>)
      tpu.yield
    }) : () -> ()
    %dma_start3A = arith.constant 0 : i32
    %dma_start3A_3 = arith.constant 0 : i32
    %dma_start3A_4 = tpu.memref_slice %arg2[%dma_start3A, %dma_start3A_3] : memref<8192x128xf32, #tpu.memory_space<hbm>> -> memref<8192x128xf32, #tpu.memory_space<hbm>>
    tpu.enqueue_indirect_dma source(%dma_start3A_4 : memref<8192x128xf32, #tpu.memory_space<hbm>>) target(%arg6 : memref<256x128xf32, #tpu.memory_space<vmem>>) offsets(%arg5 : memref<256xi32, #tpu.memory_space<vmem>>) semaphore(%arg7 : memref<!tpu.dma_semaphore, #tpu.memory_space<semaphore_mem>>)
    %dma_wait3A = arith.constant 0 : i32
    %dma_wait3A_5 = arith.constant 0 : i32
    %dma_wait3A_6 = tpu.memref_slice %arg2[%dma_wait3A, %dma_wait3A_5] : memref<8192x128xf32, #tpu.memory_space<hbm>> -> memref<8192x128xf32, #tpu.memory_space<hbm>>
    tpu.wait_indirect_dma semaphore(%arg7 : memref<!tpu.dma_semaphore, #tpu.memory_space<semaphore_mem>>) src(%dma_wait3A_6 : memref<8192x128xf32, #tpu.memory_space<hbm>>) dst(%arg6 : memref<256x128xf32, #tpu.memory_space<vmem>>)
    "tpu.region"() ({
      %run_scoped3A = tpu.sem_alloc : memref<!tpu.dma_semaphore, #tpu.memory_space<semaphore_mem>>
      %dma_start3A_7 = arith.constant 0 : i32
      %dma_start3A_8 = tpu.memref_slice %arg4[%mul3A_2, %dma_start3A_7] : memref<8192x128xf32, #tpu.memory_space<hbm>> -> memref<256x128xf32, #tpu.memory_space<hbm>>
      %dma_start3A_9 = arith.constant 0 : i32
      %dma_start3A_10 = tpu.memref_slice %arg4[%mul3A_2, %dma_start3A_9] : memref<8192x128xf32, #tpu.memory_space<hbm>> -> memref<256x128xf32, #tpu.memory_space<hbm>>
      tpu.enqueue_dma source(%arg6 : memref<256x128xf32, #tpu.memory_space<vmem>>) target(%dma_start3A_10 : memref<256x128xf32, #tpu.memory_space<hbm>>) target_semaphore(%run_scoped3A : memref<!tpu.dma_semaphore, #tpu.memory_space<semaphore_mem>>)
      %dma_wait3A_11 = arith.constant 0 : i32
      %dma_wait3A_12 = tpu.memref_slice %arg4[%mul3A_2, %dma_wait3A_11] : memref<8192x128xf32, #tpu.memory_space<hbm>> -> memref<256x128xf32, #tpu.memory_space<hbm>>
      %dma_wait3A_13 = arith.constant 0 : i32
      %dma_wait3A_14 = tpu.memref_slice %arg4[%mul3A_2, %dma_wait3A_13] : memref<8192x128xf32, #tpu.memory_space<hbm>> -> memref<256x128xf32, #tpu.memory_space<hbm>>
      tpu.wait_dma2 semaphore(%run_scoped3A : memref<!tpu.dma_semaphore, #tpu.memory_space<semaphore_mem>>) src(%arg6 : memref<256x128xf32, #tpu.memory_space<vmem>>) dst(%dma_wait3A_14 : memref<256x128xf32, #tpu.memory_space<hbm>>)
      tpu.yield
    }) : () -> ()
    return
  }
}

#map = affine_map<(d0, d1) -> (0, 0)>
#map1 = affine_map<(d0, d1) -> (0)>
module attributes {stable_mosaic.version = 14 : i64} {
  func.func @k(%arg0: i32, %arg1: i32, %arg2: memref<8192x128xf32, #tpu.memory_space<hbm>>, %arg3: memref<8192xi32, #tpu.memory_space<hbm>>, %arg4: memref<8192x128xf32, #tpu.memory_space<hbm>>, %arg5: memref<32xi32, #tpu.memory_space<vmem>>, %arg6: memref<32xi32, #tpu.memory_space<vmem>>, %arg7: memref<32xi32, #tpu.memory_space<vmem>>, %arg8: memref<32xi32, #tpu.memory_space<vmem>>, %arg9: memref<32xi32, #tpu.memory_space<vmem>>, %arg10: memref<32xi32, #tpu.memory_space<vmem>>, %arg11: memref<32xi32, #tpu.memory_space<vmem>>, %arg12: memref<32xi32, #tpu.memory_space<vmem>>, %arg13: memref<32x128xf32, #tpu.memory_space<vmem>>, %arg14: memref<32x128xf32, #tpu.memory_space<vmem>>, %arg15: memref<32x128xf32, #tpu.memory_space<vmem>>, %arg16: memref<32x128xf32, #tpu.memory_space<vmem>>, %arg17: memref<32x128xf32, #tpu.memory_space<vmem>>, %arg18: memref<32x128xf32, #tpu.memory_space<vmem>>, %arg19: memref<32x128xf32, #tpu.memory_space<vmem>>, %arg20: memref<32x128xf32, #tpu.memory_space<vmem>>, %arg21: memref<!tpu.dma_semaphore, #tpu.memory_space<semaphore_mem>>) attributes {dimension_semantics = [#tpu.dimension_semantics<core_parallel>, #tpu.dimension_semantics<subcore_parallel>], iteration_bounds = array<i64: 2, 16>, scalar_prefetch = 0 : i64, scratch_operands = 17 : i64, tpu.core_type = #tpu.core_type<sc_vector_subcore>, window_params = [{transform_indices = #map}, {transform_indices = #map1}, {transform_indices = #map}]} {
    %mul3A = arith.constant 2 : i32
    %mul3A_0 = arith.muli %arg1, %mul3A : i32
    %add3A = arith.addi %mul3A_0, %arg0 : i32
    %mul3A_1 = arith.constant 256 : i32
    %mul3A_2 = arith.muli %add3A, %mul3A_1 : i32
    %add3A_3 = arith.constant 0 : i32
    %add3A_4 = arith.addi %mul3A_2, %add3A_3 : i32
    "tpu.region"() ({
      %run_scoped3A = tpu.sem_alloc : memref<!tpu.dma_semaphore, #tpu.memory_space<semaphore_mem>>
      %dma_start3A_81 = tpu.memref_slice %arg3[%add3A_4] : memref<8192xi32, #tpu.memory_space<hbm>> -> memref<32xi32, #tpu.memory_space<hbm>>
      %dma_start3A_82 = tpu.memref_slice %arg3[%add3A_4] : memref<8192xi32, #tpu.memory_space<hbm>> -> memref<32xi32, #tpu.memory_space<hbm>>
      tpu.enqueue_dma source(%dma_start3A_82 : memref<32xi32, #tpu.memory_space<hbm>>) target(%arg5 : memref<32xi32, #tpu.memory_space<vmem>>) target_semaphore(%run_scoped3A : memref<!tpu.dma_semaphore, #tpu.memory_space<semaphore_mem>>)
      %dma_wait3A_83 = tpu.memref_slice %arg3[%add3A_4] : memref<8192xi32, #tpu.memory_space<hbm>> -> memref<32xi32, #tpu.memory_space<hbm>>
      %dma_wait3A_84 = tpu.memref_slice %arg3[%add3A_4] : memref<8192xi32, #tpu.memory_space<hbm>> -> memref<32xi32, #tpu.memory_space<hbm>>
      tpu.wait_dma2 semaphore(%run_scoped3A : memref<!tpu.dma_semaphore, #tpu.memory_space<semaphore_mem>>) src(%dma_wait3A_84 : memref<32xi32, #tpu.memory_space<hbm>>) dst(%arg5 : memref<32xi32, #tpu.memory_space<vmem>>)
      tpu.yield
    }) : () -> ()
    %add3A_5 = arith.constant 32 : i32
    %add3A_6 = arith.addi %mul3A_2, %add3A_5 : i32
    "tpu.region"() ({
      %run_scoped3A = tpu.sem_alloc : memref<!tpu.dma_semaphore, #tpu.memory_space<semaphore_mem>>
      %dma_start3A_81 = tpu.memref_slice %arg3[%add3A_6] : memref<8192xi32, #tpu.memory_space<hbm>> -> memref<32xi32, #tpu.memory_space<hbm>>
      %dma_start3A_82 = tpu.memref_slice %arg3[%add3A_6] : memref<8192xi32, #tpu.memory_space<hbm>> -> memref<32xi32, #tpu.memory_space<hbm>>
      tpu.enqueue_dma source(%dma_start3A_82 : memref<32xi32, #tpu.memory_space<hbm>>) target(%arg6 : memref<32xi32, #tpu.memory_space<vmem>>) target_semaphore(%run_scoped3A : memref<!tpu.dma_semaphore, #tpu.memory_space<semaphore_mem>>)
      %dma_wait3A_83 = tpu.memref_slice %arg3[%add3A_6] : memref<8192xi32, #tpu.memory_space<hbm>> -> memref<32xi32, #tpu.memory_space<hbm>>
      %dma_wait3A_84 = tpu.memref_slice %arg3[%add3A_6] : memref<8192xi32, #tpu.memory_space<hbm>> -> memref<32xi32, #tpu.memory_space<hbm>>
      tpu.wait_dma2 semaphore(%run_scoped3A : memref<!tpu.dma_semaphore, #tpu.memory_space<semaphore_mem>>) src(%dma_wait3A_84 : memref<32xi32, #tpu.memory_space<hbm>>) dst(%arg6 : memref<32xi32, #tpu.memory_space<vmem>>)
      tpu.yield
    }) : () -> ()
    %add3A_7 = arith.constant 64 : i32
    %add3A_8 = arith.addi %mul3A_2, %add3A_7 : i32
    "tpu.region"() ({
      %run_scoped3A = tpu.sem_alloc : memref<!tpu.dma_semaphore, #tpu.memory_space<semaphore_mem>>
      %dma_start3A_81 = tpu.memref_slice %arg3[%add3A_8] : memref<8192xi32, #tpu.memory_space<hbm>> -> memref<32xi32, #tpu.memory_space<hbm>>
      %dma_start3A_82 = tpu.memref_slice %arg3[%add3A_8] : memref<8192xi32, #tpu.memory_space<hbm>> -> memref<32xi32, #tpu.memory_space<hbm>>
      tpu.enqueue_dma source(%dma_start3A_82 : memref<32xi32, #tpu.memory_space<hbm>>) target(%arg7 : memref<32xi32, #tpu.memory_space<vmem>>) target_semaphore(%run_scoped3A : memref<!tpu.dma_semaphore, #tpu.memory_space<semaphore_mem>>)
      %dma_wait3A_83 = tpu.memref_slice %arg3[%add3A_8] : memref<8192xi32, #tpu.memory_space<hbm>> -> memref<32xi32, #tpu.memory_space<hbm>>
      %dma_wait3A_84 = tpu.memref_slice %arg3[%add3A_8] : memref<8192xi32, #tpu.memory_space<hbm>> -> memref<32xi32, #tpu.memory_space<hbm>>
      tpu.wait_dma2 semaphore(%run_scoped3A : memref<!tpu.dma_semaphore, #tpu.memory_space<semaphore_mem>>) src(%dma_wait3A_84 : memref<32xi32, #tpu.memory_space<hbm>>) dst(%arg7 : memref<32xi32, #tpu.memory_space<vmem>>)
      tpu.yield
    }) : () -> ()
    %add3A_9 = arith.constant 96 : i32
    %add3A_10 = arith.addi %mul3A_2, %add3A_9 : i32
    "tpu.region"() ({
      %run_scoped3A = tpu.sem_alloc : memref<!tpu.dma_semaphore, #tpu.memory_space<semaphore_mem>>
      %dma_start3A_81 = tpu.memref_slice %arg3[%add3A_10] : memref<8192xi32, #tpu.memory_space<hbm>> -> memref<32xi32, #tpu.memory_space<hbm>>
      %dma_start3A_82 = tpu.memref_slice %arg3[%add3A_10] : memref<8192xi32, #tpu.memory_space<hbm>> -> memref<32xi32, #tpu.memory_space<hbm>>
      tpu.enqueue_dma source(%dma_start3A_82 : memref<32xi32, #tpu.memory_space<hbm>>) target(%arg8 : memref<32xi32, #tpu.memory_space<vmem>>) target_semaphore(%run_scoped3A : memref<!tpu.dma_semaphore, #tpu.memory_space<semaphore_mem>>)
      %dma_wait3A_83 = tpu.memref_slice %arg3[%add3A_10] : memref<8192xi32, #tpu.memory_space<hbm>> -> memref<32xi32, #tpu.memory_space<hbm>>
      %dma_wait3A_84 = tpu.memref_slice %arg3[%add3A_10] : memref<8192xi32, #tpu.memory_space<hbm>> -> memref<32xi32, #tpu.memory_space<hbm>>
      tpu.wait_dma2 semaphore(%run_scoped3A : memref<!tpu.dma_semaphore, #tpu.memory_space<semaphore_mem>>) src(%dma_wait3A_84 : memref<32xi32, #tpu.memory_space<hbm>>) dst(%arg8 : memref<32xi32, #tpu.memory_space<vmem>>)
      tpu.yield
    }) : () -> ()
    %add3A_11 = arith.constant 128 : i32
    %add3A_12 = arith.addi %mul3A_2, %add3A_11 : i32
    "tpu.region"() ({
      %run_scoped3A = tpu.sem_alloc : memref<!tpu.dma_semaphore, #tpu.memory_space<semaphore_mem>>
      %dma_start3A_81 = tpu.memref_slice %arg3[%add3A_12] : memref<8192xi32, #tpu.memory_space<hbm>> -> memref<32xi32, #tpu.memory_space<hbm>>
      %dma_start3A_82 = tpu.memref_slice %arg3[%add3A_12] : memref<8192xi32, #tpu.memory_space<hbm>> -> memref<32xi32, #tpu.memory_space<hbm>>
      tpu.enqueue_dma source(%dma_start3A_82 : memref<32xi32, #tpu.memory_space<hbm>>) target(%arg9 : memref<32xi32, #tpu.memory_space<vmem>>) target_semaphore(%run_scoped3A : memref<!tpu.dma_semaphore, #tpu.memory_space<semaphore_mem>>)
      %dma_wait3A_83 = tpu.memref_slice %arg3[%add3A_12] : memref<8192xi32, #tpu.memory_space<hbm>> -> memref<32xi32, #tpu.memory_space<hbm>>
      %dma_wait3A_84 = tpu.memref_slice %arg3[%add3A_12] : memref<8192xi32, #tpu.memory_space<hbm>> -> memref<32xi32, #tpu.memory_space<hbm>>
      tpu.wait_dma2 semaphore(%run_scoped3A : memref<!tpu.dma_semaphore, #tpu.memory_space<semaphore_mem>>) src(%dma_wait3A_84 : memref<32xi32, #tpu.memory_space<hbm>>) dst(%arg9 : memref<32xi32, #tpu.memory_space<vmem>>)
      tpu.yield
    }) : () -> ()
    %add3A_13 = arith.constant 160 : i32
    %add3A_14 = arith.addi %mul3A_2, %add3A_13 : i32
    "tpu.region"() ({
      %run_scoped3A = tpu.sem_alloc : memref<!tpu.dma_semaphore, #tpu.memory_space<semaphore_mem>>
      %dma_start3A_81 = tpu.memref_slice %arg3[%add3A_14] : memref<8192xi32, #tpu.memory_space<hbm>> -> memref<32xi32, #tpu.memory_space<hbm>>
      %dma_start3A_82 = tpu.memref_slice %arg3[%add3A_14] : memref<8192xi32, #tpu.memory_space<hbm>> -> memref<32xi32, #tpu.memory_space<hbm>>
      tpu.enqueue_dma source(%dma_start3A_82 : memref<32xi32, #tpu.memory_space<hbm>>) target(%arg10 : memref<32xi32, #tpu.memory_space<vmem>>) target_semaphore(%run_scoped3A : memref<!tpu.dma_semaphore, #tpu.memory_space<semaphore_mem>>)
      %dma_wait3A_83 = tpu.memref_slice %arg3[%add3A_14] : memref<8192xi32, #tpu.memory_space<hbm>> -> memref<32xi32, #tpu.memory_space<hbm>>
      %dma_wait3A_84 = tpu.memref_slice %arg3[%add3A_14] : memref<8192xi32, #tpu.memory_space<hbm>> -> memref<32xi32, #tpu.memory_space<hbm>>
      tpu.wait_dma2 semaphore(%run_scoped3A : memref<!tpu.dma_semaphore, #tpu.memory_space<semaphore_mem>>) src(%dma_wait3A_84 : memref<32xi32, #tpu.memory_space<hbm>>) dst(%arg10 : memref<32xi32, #tpu.memory_space<vmem>>)
      tpu.yield
    }) : () -> ()
    %add3A_15 = arith.constant 192 : i32
    %add3A_16 = arith.addi %mul3A_2, %add3A_15 : i32
    "tpu.region"() ({
      %run_scoped3A = tpu.sem_alloc : memref<!tpu.dma_semaphore, #tpu.memory_space<semaphore_mem>>
      %dma_start3A_81 = tpu.memref_slice %arg3[%add3A_16] : memref<8192xi32, #tpu.memory_space<hbm>> -> memref<32xi32, #tpu.memory_space<hbm>>
      %dma_start3A_82 = tpu.memref_slice %arg3[%add3A_16] : memref<8192xi32, #tpu.memory_space<hbm>> -> memref<32xi32, #tpu.memory_space<hbm>>
      tpu.enqueue_dma source(%dma_start3A_82 : memref<32xi32, #tpu.memory_space<hbm>>) target(%arg11 : memref<32xi32, #tpu.memory_space<vmem>>) target_semaphore(%run_scoped3A : memref<!tpu.dma_semaphore, #tpu.memory_space<semaphore_mem>>)
      %dma_wait3A_83 = tpu.memref_slice %arg3[%add3A_16] : memref<8192xi32, #tpu.memory_space<hbm>> -> memref<32xi32, #tpu.memory_space<hbm>>
      %dma_wait3A_84 = tpu.memref_slice %arg3[%add3A_16] : memref<8192xi32, #tpu.memory_space<hbm>> -> memref<32xi32, #tpu.memory_space<hbm>>
      tpu.wait_dma2 semaphore(%run_scoped3A : memref<!tpu.dma_semaphore, #tpu.memory_space<semaphore_mem>>) src(%dma_wait3A_84 : memref<32xi32, #tpu.memory_space<hbm>>) dst(%arg11 : memref<32xi32, #tpu.memory_space<vmem>>)
      tpu.yield
    }) : () -> ()
    %add3A_17 = arith.constant 224 : i32
    %add3A_18 = arith.addi %mul3A_2, %add3A_17 : i32
    "tpu.region"() ({
      %run_scoped3A = tpu.sem_alloc : memref<!tpu.dma_semaphore, #tpu.memory_space<semaphore_mem>>
      %dma_start3A_81 = tpu.memref_slice %arg3[%add3A_18] : memref<8192xi32, #tpu.memory_space<hbm>> -> memref<32xi32, #tpu.memory_space<hbm>>
      %dma_start3A_82 = tpu.memref_slice %arg3[%add3A_18] : memref<8192xi32, #tpu.memory_space<hbm>> -> memref<32xi32, #tpu.memory_space<hbm>>
      tpu.enqueue_dma source(%dma_start3A_82 : memref<32xi32, #tpu.memory_space<hbm>>) target(%arg12 : memref<32xi32, #tpu.memory_space<vmem>>) target_semaphore(%run_scoped3A : memref<!tpu.dma_semaphore, #tpu.memory_space<semaphore_mem>>)
      %dma_wait3A_83 = tpu.memref_slice %arg3[%add3A_18] : memref<8192xi32, #tpu.memory_space<hbm>> -> memref<32xi32, #tpu.memory_space<hbm>>
      %dma_wait3A_84 = tpu.memref_slice %arg3[%add3A_18] : memref<8192xi32, #tpu.memory_space<hbm>> -> memref<32xi32, #tpu.memory_space<hbm>>
      tpu.wait_dma2 semaphore(%run_scoped3A : memref<!tpu.dma_semaphore, #tpu.memory_space<semaphore_mem>>) src(%dma_wait3A_84 : memref<32xi32, #tpu.memory_space<hbm>>) dst(%arg12 : memref<32xi32, #tpu.memory_space<vmem>>)
      tpu.yield
    }) : () -> ()
    %dma_start3A = arith.constant 0 : i32
    %dma_start3A_19 = arith.constant 0 : i32
    %dma_start3A_20 = tpu.memref_slice %arg2[%dma_start3A, %dma_start3A_19] : memref<8192x128xf32, #tpu.memory_space<hbm>> -> memref<8192x128xf32, #tpu.memory_space<hbm>>
    tpu.enqueue_indirect_dma source(%dma_start3A_20 : memref<8192x128xf32, #tpu.memory_space<hbm>>) target(%arg13 : memref<32x128xf32, #tpu.memory_space<vmem>>) offsets(%arg5 : memref<32xi32, #tpu.memory_space<vmem>>) semaphore(%arg21 : memref<!tpu.dma_semaphore, #tpu.memory_space<semaphore_mem>>)
    %dma_start3A_21 = arith.constant 0 : i32
    %dma_start3A_22 = arith.constant 0 : i32
    %dma_start3A_23 = tpu.memref_slice %arg2[%dma_start3A_21, %dma_start3A_22] : memref<8192x128xf32, #tpu.memory_space<hbm>> -> memref<8192x128xf32, #tpu.memory_space<hbm>>
    tpu.enqueue_indirect_dma source(%dma_start3A_23 : memref<8192x128xf32, #tpu.memory_space<hbm>>) target(%arg14 : memref<32x128xf32, #tpu.memory_space<vmem>>) offsets(%arg6 : memref<32xi32, #tpu.memory_space<vmem>>) semaphore(%arg21 : memref<!tpu.dma_semaphore, #tpu.memory_space<semaphore_mem>>)
    %dma_start3A_24 = arith.constant 0 : i32
    %dma_start3A_25 = arith.constant 0 : i32
    %dma_start3A_26 = tpu.memref_slice %arg2[%dma_start3A_24, %dma_start3A_25] : memref<8192x128xf32, #tpu.memory_space<hbm>> -> memref<8192x128xf32, #tpu.memory_space<hbm>>
    tpu.enqueue_indirect_dma source(%dma_start3A_26 : memref<8192x128xf32, #tpu.memory_space<hbm>>) target(%arg15 : memref<32x128xf32, #tpu.memory_space<vmem>>) offsets(%arg7 : memref<32xi32, #tpu.memory_space<vmem>>) semaphore(%arg21 : memref<!tpu.dma_semaphore, #tpu.memory_space<semaphore_mem>>)
    %dma_start3A_27 = arith.constant 0 : i32
    %dma_start3A_28 = arith.constant 0 : i32
    %dma_start3A_29 = tpu.memref_slice %arg2[%dma_start3A_27, %dma_start3A_28] : memref<8192x128xf32, #tpu.memory_space<hbm>> -> memref<8192x128xf32, #tpu.memory_space<hbm>>
    tpu.enqueue_indirect_dma source(%dma_start3A_29 : memref<8192x128xf32, #tpu.memory_space<hbm>>) target(%arg16 : memref<32x128xf32, #tpu.memory_space<vmem>>) offsets(%arg8 : memref<32xi32, #tpu.memory_space<vmem>>) semaphore(%arg21 : memref<!tpu.dma_semaphore, #tpu.memory_space<semaphore_mem>>)
    %dma_start3A_30 = arith.constant 0 : i32
    %dma_start3A_31 = arith.constant 0 : i32
    %dma_start3A_32 = tpu.memref_slice %arg2[%dma_start3A_30, %dma_start3A_31] : memref<8192x128xf32, #tpu.memory_space<hbm>> -> memref<8192x128xf32, #tpu.memory_space<hbm>>
    tpu.enqueue_indirect_dma source(%dma_start3A_32 : memref<8192x128xf32, #tpu.memory_space<hbm>>) target(%arg17 : memref<32x128xf32, #tpu.memory_space<vmem>>) offsets(%arg9 : memref<32xi32, #tpu.memory_space<vmem>>) semaphore(%arg21 : memref<!tpu.dma_semaphore, #tpu.memory_space<semaphore_mem>>)
    %dma_start3A_33 = arith.constant 0 : i32
    %dma_start3A_34 = arith.constant 0 : i32
    %dma_start3A_35 = tpu.memref_slice %arg2[%dma_start3A_33, %dma_start3A_34] : memref<8192x128xf32, #tpu.memory_space<hbm>> -> memref<8192x128xf32, #tpu.memory_space<hbm>>
    tpu.enqueue_indirect_dma source(%dma_start3A_35 : memref<8192x128xf32, #tpu.memory_space<hbm>>) target(%arg18 : memref<32x128xf32, #tpu.memory_space<vmem>>) offsets(%arg10 : memref<32xi32, #tpu.memory_space<vmem>>) semaphore(%arg21 : memref<!tpu.dma_semaphore, #tpu.memory_space<semaphore_mem>>)
    %dma_start3A_36 = arith.constant 0 : i32
    %dma_start3A_37 = arith.constant 0 : i32
    %dma_start3A_38 = tpu.memref_slice %arg2[%dma_start3A_36, %dma_start3A_37] : memref<8192x128xf32, #tpu.memory_space<hbm>> -> memref<8192x128xf32, #tpu.memory_space<hbm>>
    tpu.enqueue_indirect_dma source(%dma_start3A_38 : memref<8192x128xf32, #tpu.memory_space<hbm>>) target(%arg19 : memref<32x128xf32, #tpu.memory_space<vmem>>) offsets(%arg11 : memref<32xi32, #tpu.memory_space<vmem>>) semaphore(%arg21 : memref<!tpu.dma_semaphore, #tpu.memory_space<semaphore_mem>>)
    %dma_start3A_39 = arith.constant 0 : i32
    %dma_start3A_40 = arith.constant 0 : i32
    %dma_start3A_41 = tpu.memref_slice %arg2[%dma_start3A_39, %dma_start3A_40] : memref<8192x128xf32, #tpu.memory_space<hbm>> -> memref<8192x128xf32, #tpu.memory_space<hbm>>
    tpu.enqueue_indirect_dma source(%dma_start3A_41 : memref<8192x128xf32, #tpu.memory_space<hbm>>) target(%arg20 : memref<32x128xf32, #tpu.memory_space<vmem>>) offsets(%arg12 : memref<32xi32, #tpu.memory_space<vmem>>) semaphore(%arg21 : memref<!tpu.dma_semaphore, #tpu.memory_space<semaphore_mem>>)
    %dma_wait3A = arith.constant 0 : i32
    %dma_wait3A_42 = arith.constant 0 : i32
    %dma_wait3A_43 = tpu.memref_slice %arg2[%dma_wait3A, %dma_wait3A_42] : memref<8192x128xf32, #tpu.memory_space<hbm>> -> memref<8192x128xf32, #tpu.memory_space<hbm>>
    tpu.wait_indirect_dma semaphore(%arg21 : memref<!tpu.dma_semaphore, #tpu.memory_space<semaphore_mem>>) src(%dma_wait3A_43 : memref<8192x128xf32, #tpu.memory_space<hbm>>) dst(%arg13 : memref<32x128xf32, #tpu.memory_space<vmem>>)
    %dma_wait3A_44 = arith.constant 0 : i32
    %dma_wait3A_45 = arith.constant 0 : i32
    %dma_wait3A_46 = tpu.memref_slice %arg2[%dma_wait3A_44, %dma_wait3A_45] : memref<8192x128xf32, #tpu.memory_space<hbm>> -> memref<8192x128xf32, #tpu.memory_space<hbm>>
    tpu.wait_indirect_dma semaphore(%arg21 : memref<!tpu.dma_semaphore, #tpu.memory_space<semaphore_mem>>) src(%dma_wait3A_46 : memref<8192x128xf32, #tpu.memory_space<hbm>>) dst(%arg14 : memref<32x128xf32, #tpu.memory_space<vmem>>)
    %dma_wait3A_47 = arith.constant 0 : i32
    %dma_wait3A_48 = arith.constant 0 : i32
    %dma_wait3A_49 = tpu.memref_slice %arg2[%dma_wait3A_47, %dma_wait3A_48] : memref<8192x128xf32, #tpu.memory_space<hbm>> -> memref<8192x128xf32, #tpu.memory_space<hbm>>
    tpu.wait_indirect_dma semaphore(%arg21 : memref<!tpu.dma_semaphore, #tpu.memory_space<semaphore_mem>>) src(%dma_wait3A_49 : memref<8192x128xf32, #tpu.memory_space<hbm>>) dst(%arg15 : memref<32x128xf32, #tpu.memory_space<vmem>>)
    %dma_wait3A_50 = arith.constant 0 : i32
    %dma_wait3A_51 = arith.constant 0 : i32
    %dma_wait3A_52 = tpu.memref_slice %arg2[%dma_wait3A_50, %dma_wait3A_51] : memref<8192x128xf32, #tpu.memory_space<hbm>> -> memref<8192x128xf32, #tpu.memory_space<hbm>>
    tpu.wait_indirect_dma semaphore(%arg21 : memref<!tpu.dma_semaphore, #tpu.memory_space<semaphore_mem>>) src(%dma_wait3A_52 : memref<8192x128xf32, #tpu.memory_space<hbm>>) dst(%arg16 : memref<32x128xf32, #tpu.memory_space<vmem>>)
    %dma_wait3A_53 = arith.constant 0 : i32
    %dma_wait3A_54 = arith.constant 0 : i32
    %dma_wait3A_55 = tpu.memref_slice %arg2[%dma_wait3A_53, %dma_wait3A_54] : memref<8192x128xf32, #tpu.memory_space<hbm>> -> memref<8192x128xf32, #tpu.memory_space<hbm>>
    tpu.wait_indirect_dma semaphore(%arg21 : memref<!tpu.dma_semaphore, #tpu.memory_space<semaphore_mem>>) src(%dma_wait3A_55 : memref<8192x128xf32, #tpu.memory_space<hbm>>) dst(%arg17 : memref<32x128xf32, #tpu.memory_space<vmem>>)
    %dma_wait3A_56 = arith.constant 0 : i32
    %dma_wait3A_57 = arith.constant 0 : i32
    %dma_wait3A_58 = tpu.memref_slice %arg2[%dma_wait3A_56, %dma_wait3A_57] : memref<8192x128xf32, #tpu.memory_space<hbm>> -> memref<8192x128xf32, #tpu.memory_space<hbm>>
    tpu.wait_indirect_dma semaphore(%arg21 : memref<!tpu.dma_semaphore, #tpu.memory_space<semaphore_mem>>) src(%dma_wait3A_58 : memref<8192x128xf32, #tpu.memory_space<hbm>>) dst(%arg18 : memref<32x128xf32, #tpu.memory_space<vmem>>)
    %dma_wait3A_59 = arith.constant 0 : i32
    %dma_wait3A_60 = arith.constant 0 : i32
    %dma_wait3A_61 = tpu.memref_slice %arg2[%dma_wait3A_59, %dma_wait3A_60] : memref<8192x128xf32, #tpu.memory_space<hbm>> -> memref<8192x128xf32, #tpu.memory_space<hbm>>
    tpu.wait_indirect_dma semaphore(%arg21 : memref<!tpu.dma_semaphore, #tpu.memory_space<semaphore_mem>>) src(%dma_wait3A_61 : memref<8192x128xf32, #tpu.memory_space<hbm>>) dst(%arg19 : memref<32x128xf32, #tpu.memory_space<vmem>>)
    %dma_wait3A_62 = arith.constant 0 : i32
    %dma_wait3A_63 = arith.constant 0 : i32
    %dma_wait3A_64 = tpu.memref_slice %arg2[%dma_wait3A_62, %dma_wait3A_63] : memref<8192x128xf32, #tpu.memory_space<hbm>> -> memref<8192x128xf32, #tpu.memory_space<hbm>>
    tpu.wait_indirect_dma semaphore(%arg21 : memref<!tpu.dma_semaphore, #tpu.memory_space<semaphore_mem>>) src(%dma_wait3A_64 : memref<8192x128xf32, #tpu.memory_space<hbm>>) dst(%arg20 : memref<32x128xf32, #tpu.memory_space<vmem>>)
    %add3A_65 = arith.constant 0 : i32
    %add3A_66 = arith.addi %mul3A_2, %add3A_65 : i32
    "tpu.region"() ({
      %run_scoped3A = tpu.sem_alloc : memref<!tpu.dma_semaphore, #tpu.memory_space<semaphore_mem>>
      %dma_start3A_81 = arith.constant 0 : i32
      %dma_start3A_82 = tpu.memref_slice %arg4[%add3A_66, %dma_start3A_81] : memref<8192x128xf32, #tpu.memory_space<hbm>> -> memref<32x128xf32, #tpu.memory_space<hbm>>
      %dma_start3A_83 = arith.constant 0 : i32
      %dma_start3A_84 = tpu.memref_slice %arg4[%add3A_66, %dma_start3A_83] : memref<8192x128xf32, #tpu.memory_space<hbm>> -> memref<32x128xf32, #tpu.memory_space<hbm>>
      tpu.enqueue_dma source(%arg13 : memref<32x128xf32, #tpu.memory_space<vmem>>) target(%dma_start3A_84 : memref<32x128xf32, #tpu.memory_space<hbm>>) target_semaphore(%run_scoped3A : memref<!tpu.dma_semaphore, #tpu.memory_space<semaphore_mem>>)
      %dma_wait3A_85 = arith.constant 0 : i32
      %dma_wait3A_86 = tpu.memref_slice %arg4[%add3A_66, %dma_wait3A_85] : memref<8192x128xf32, #tpu.memory_space<hbm>> -> memref<32x128xf32, #tpu.memory_space<hbm>>
      %dma_wait3A_87 = arith.constant 0 : i32
      %dma_wait3A_88 = tpu.memref_slice %arg4[%add3A_66, %dma_wait3A_87] : memref<8192x128xf32, #tpu.memory_space<hbm>> -> memref<32x128xf32, #tpu.memory_space<hbm>>
      tpu.wait_dma2 semaphore(%run_scoped3A : memref<!tpu.dma_semaphore, #tpu.memory_space<semaphore_mem>>) src(%arg13 : memref<32x128xf32, #tpu.memory_space<vmem>>) dst(%dma_wait3A_88 : memref<32x128xf32, #tpu.memory_space<hbm>>)
      tpu.yield
    }) : () -> ()
    %add3A_67 = arith.constant 32 : i32
    %add3A_68 = arith.addi %mul3A_2, %add3A_67 : i32
    "tpu.region"() ({
      %run_scoped3A = tpu.sem_alloc : memref<!tpu.dma_semaphore, #tpu.memory_space<semaphore_mem>>
      %dma_start3A_81 = arith.constant 0 : i32
      %dma_start3A_82 = tpu.memref_slice %arg4[%add3A_68, %dma_start3A_81] : memref<8192x128xf32, #tpu.memory_space<hbm>> -> memref<32x128xf32, #tpu.memory_space<hbm>>
      %dma_start3A_83 = arith.constant 0 : i32
      %dma_start3A_84 = tpu.memref_slice %arg4[%add3A_68, %dma_start3A_83] : memref<8192x128xf32, #tpu.memory_space<hbm>> -> memref<32x128xf32, #tpu.memory_space<hbm>>
      tpu.enqueue_dma source(%arg14 : memref<32x128xf32, #tpu.memory_space<vmem>>) target(%dma_start3A_84 : memref<32x128xf32, #tpu.memory_space<hbm>>) target_semaphore(%run_scoped3A : memref<!tpu.dma_semaphore, #tpu.memory_space<semaphore_mem>>)
      %dma_wait3A_85 = arith.constant 0 : i32
      %dma_wait3A_86 = tpu.memref_slice %arg4[%add3A_68, %dma_wait3A_85] : memref<8192x128xf32, #tpu.memory_space<hbm>> -> memref<32x128xf32, #tpu.memory_space<hbm>>
      %dma_wait3A_87 = arith.constant 0 : i32
      %dma_wait3A_88 = tpu.memref_slice %arg4[%add3A_68, %dma_wait3A_87] : memref<8192x128xf32, #tpu.memory_space<hbm>> -> memref<32x128xf32, #tpu.memory_space<hbm>>
      tpu.wait_dma2 semaphore(%run_scoped3A : memref<!tpu.dma_semaphore, #tpu.memory_space<semaphore_mem>>) src(%arg14 : memref<32x128xf32, #tpu.memory_space<vmem>>) dst(%dma_wait3A_88 : memref<32x128xf32, #tpu.memory_space<hbm>>)
      tpu.yield
    }) : () -> ()
    %add3A_69 = arith.constant 64 : i32
    %add3A_70 = arith.addi %mul3A_2, %add3A_69 : i32
    "tpu.region"() ({
      %run_scoped3A = tpu.sem_alloc : memref<!tpu.dma_semaphore, #tpu.memory_space<semaphore_mem>>
      %dma_start3A_81 = arith.constant 0 : i32
      %dma_start3A_82 = tpu.memref_slice %arg4[%add3A_70, %dma_start3A_81] : memref<8192x128xf32, #tpu.memory_space<hbm>> -> memref<32x128xf32, #tpu.memory_space<hbm>>
      %dma_start3A_83 = arith.constant 0 : i32
      %dma_start3A_84 = tpu.memref_slice %arg4[%add3A_70, %dma_start3A_83] : memref<8192x128xf32, #tpu.memory_space<hbm>> -> memref<32x128xf32, #tpu.memory_space<hbm>>
      tpu.enqueue_dma source(%arg15 : memref<32x128xf32, #tpu.memory_space<vmem>>) target(%dma_start3A_84 : memref<32x128xf32, #tpu.memory_space<hbm>>) target_semaphore(%run_scoped3A : memref<!tpu.dma_semaphore, #tpu.memory_space<semaphore_mem>>)
      %dma_wait3A_85 = arith.constant 0 : i32
      %dma_wait3A_86 = tpu.memref_slice %arg4[%add3A_70, %dma_wait3A_85] : memref<8192x128xf32, #tpu.memory_space<hbm>> -> memref<32x128xf32, #tpu.memory_space<hbm>>
      %dma_wait3A_87 = arith.constant 0 : i32
      %dma_wait3A_88 = tpu.memref_slice %arg4[%add3A_70, %dma_wait3A_87] : memref<8192x128xf32, #tpu.memory_space<hbm>> -> memref<32x128xf32, #tpu.memory_space<hbm>>
      tpu.wait_dma2 semaphore(%run_scoped3A : memref<!tpu.dma_semaphore, #tpu.memory_space<semaphore_mem>>) src(%arg15 : memref<32x128xf32, #tpu.memory_space<vmem>>) dst(%dma_wait3A_88 : memref<32x128xf32, #tpu.memory_space<hbm>>)
      tpu.yield
    }) : () -> ()
    %add3A_71 = arith.constant 96 : i32
    %add3A_72 = arith.addi %mul3A_2, %add3A_71 : i32
    "tpu.region"() ({
      %run_scoped3A = tpu.sem_alloc : memref<!tpu.dma_semaphore, #tpu.memory_space<semaphore_mem>>
      %dma_start3A_81 = arith.constant 0 : i32
      %dma_start3A_82 = tpu.memref_slice %arg4[%add3A_72, %dma_start3A_81] : memref<8192x128xf32, #tpu.memory_space<hbm>> -> memref<32x128xf32, #tpu.memory_space<hbm>>
      %dma_start3A_83 = arith.constant 0 : i32
      %dma_start3A_84 = tpu.memref_slice %arg4[%add3A_72, %dma_start3A_83] : memref<8192x128xf32, #tpu.memory_space<hbm>> -> memref<32x128xf32, #tpu.memory_space<hbm>>
      tpu.enqueue_dma source(%arg16 : memref<32x128xf32, #tpu.memory_space<vmem>>) target(%dma_start3A_84 : memref<32x128xf32, #tpu.memory_space<hbm>>) target_semaphore(%run_scoped3A : memref<!tpu.dma_semaphore, #tpu.memory_space<semaphore_mem>>)
      %dma_wait3A_85 = arith.constant 0 : i32
      %dma_wait3A_86 = tpu.memref_slice %arg4[%add3A_72, %dma_wait3A_85] : memref<8192x128xf32, #tpu.memory_space<hbm>> -> memref<32x128xf32, #tpu.memory_space<hbm>>
      %dma_wait3A_87 = arith.constant 0 : i32
      %dma_wait3A_88 = tpu.memref_slice %arg4[%add3A_72, %dma_wait3A_87] : memref<8192x128xf32, #tpu.memory_space<hbm>> -> memref<32x128xf32, #tpu.memory_space<hbm>>
      tpu.wait_dma2 semaphore(%run_scoped3A : memref<!tpu.dma_semaphore, #tpu.memory_space<semaphore_mem>>) src(%arg16 : memref<32x128xf32, #tpu.memory_space<vmem>>) dst(%dma_wait3A_88 : memref<32x128xf32, #tpu.memory_space<hbm>>)
      tpu.yield
    }) : () -> ()
    %add3A_73 = arith.constant 128 : i32
    %add3A_74 = arith.addi %mul3A_2, %add3A_73 : i32
    "tpu.region"() ({
      %run_scoped3A = tpu.sem_alloc : memref<!tpu.dma_semaphore, #tpu.memory_space<semaphore_mem>>
      %dma_start3A_81 = arith.constant 0 : i32
      %dma_start3A_82 = tpu.memref_slice %arg4[%add3A_74, %dma_start3A_81] : memref<8192x128xf32, #tpu.memory_space<hbm>> -> memref<32x128xf32, #tpu.memory_space<hbm>>
      %dma_start3A_83 = arith.constant 0 : i32
      %dma_start3A_84 = tpu.memref_slice %arg4[%add3A_74, %dma_start3A_83] : memref<8192x128xf32, #tpu.memory_space<hbm>> -> memref<32x128xf32, #tpu.memory_space<hbm>>
      tpu.enqueue_dma source(%arg17 : memref<32x128xf32, #tpu.memory_space<vmem>>) target(%dma_start3A_84 : memref<32x128xf32, #tpu.memory_space<hbm>>) target_semaphore(%run_scoped3A : memref<!tpu.dma_semaphore, #tpu.memory_space<semaphore_mem>>)
      %dma_wait3A_85 = arith.constant 0 : i32
      %dma_wait3A_86 = tpu.memref_slice %arg4[%add3A_74, %dma_wait3A_85] : memref<8192x128xf32, #tpu.memory_space<hbm>> -> memref<32x128xf32, #tpu.memory_space<hbm>>
      %dma_wait3A_87 = arith.constant 0 : i32
      %dma_wait3A_88 = tpu.memref_slice %arg4[%add3A_74, %dma_wait3A_87] : memref<8192x128xf32, #tpu.memory_space<hbm>> -> memref<32x128xf32, #tpu.memory_space<hbm>>
      tpu.wait_dma2 semaphore(%run_scoped3A : memref<!tpu.dma_semaphore, #tpu.memory_space<semaphore_mem>>) src(%arg17 : memref<32x128xf32, #tpu.memory_space<vmem>>) dst(%dma_wait3A_88 : memref<32x128xf32, #tpu.memory_space<hbm>>)
      tpu.yield
    }) : () -> ()
    %add3A_75 = arith.constant 160 : i32
    %add3A_76 = arith.addi %mul3A_2, %add3A_75 : i32
    "tpu.region"() ({
      %run_scoped3A = tpu.sem_alloc : memref<!tpu.dma_semaphore, #tpu.memory_space<semaphore_mem>>
      %dma_start3A_81 = arith.constant 0 : i32
      %dma_start3A_82 = tpu.memref_slice %arg4[%add3A_76, %dma_start3A_81] : memref<8192x128xf32, #tpu.memory_space<hbm>> -> memref<32x128xf32, #tpu.memory_space<hbm>>
      %dma_start3A_83 = arith.constant 0 : i32
      %dma_start3A_84 = tpu.memref_slice %arg4[%add3A_76, %dma_start3A_83] : memref<8192x128xf32, #tpu.memory_space<hbm>> -> memref<32x128xf32, #tpu.memory_space<hbm>>
      tpu.enqueue_dma source(%arg18 : memref<32x128xf32, #tpu.memory_space<vmem>>) target(%dma_start3A_84 : memref<32x128xf32, #tpu.memory_space<hbm>>) target_semaphore(%run_scoped3A : memref<!tpu.dma_semaphore, #tpu.memory_space<semaphore_mem>>)
      %dma_wait3A_85 = arith.constant 0 : i32
      %dma_wait3A_86 = tpu.memref_slice %arg4[%add3A_76, %dma_wait3A_85] : memref<8192x128xf32, #tpu.memory_space<hbm>> -> memref<32x128xf32, #tpu.memory_space<hbm>>
      %dma_wait3A_87 = arith.constant 0 : i32
      %dma_wait3A_88 = tpu.memref_slice %arg4[%add3A_76, %dma_wait3A_87] : memref<8192x128xf32, #tpu.memory_space<hbm>> -> memref<32x128xf32, #tpu.memory_space<hbm>>
      tpu.wait_dma2 semaphore(%run_scoped3A : memref<!tpu.dma_semaphore, #tpu.memory_space<semaphore_mem>>) src(%arg18 : memref<32x128xf32, #tpu.memory_space<vmem>>) dst(%dma_wait3A_88 : memref<32x128xf32, #tpu.memory_space<hbm>>)
      tpu.yield
    }) : () -> ()
    %add3A_77 = arith.constant 192 : i32
    %add3A_78 = arith.addi %mul3A_2, %add3A_77 : i32
    "tpu.region"() ({
      %run_scoped3A = tpu.sem_alloc : memref<!tpu.dma_semaphore, #tpu.memory_space<semaphore_mem>>
      %dma_start3A_81 = arith.constant 0 : i32
      %dma_start3A_82 = tpu.memref_slice %arg4[%add3A_78, %dma_start3A_81] : memref<8192x128xf32, #tpu.memory_space<hbm>> -> memref<32x128xf32, #tpu.memory_space<hbm>>
      %dma_start3A_83 = arith.constant 0 : i32
      %dma_start3A_84 = tpu.memref_slice %arg4[%add3A_78, %dma_start3A_83] : memref<8192x128xf32, #tpu.memory_space<hbm>> -> memref<32x128xf32, #tpu.memory_space<hbm>>
      tpu.enqueue_dma source(%arg19 : memref<32x128xf32, #tpu.memory_space<vmem>>) target(%dma_start3A_84 : memref<32x128xf32, #tpu.memory_space<hbm>>) target_semaphore(%run_scoped3A : memref<!tpu.dma_semaphore, #tpu.memory_space<semaphore_mem>>)
      %dma_wait3A_85 = arith.constant 0 : i32
      %dma_wait3A_86 = tpu.memref_slice %arg4[%add3A_78, %dma_wait3A_85] : memref<8192x128xf32, #tpu.memory_space<hbm>> -> memref<32x128xf32, #tpu.memory_space<hbm>>
      %dma_wait3A_87 = arith.constant 0 : i32
      %dma_wait3A_88 = tpu.memref_slice %arg4[%add3A_78, %dma_wait3A_87] : memref<8192x128xf32, #tpu.memory_space<hbm>> -> memref<32x128xf32, #tpu.memory_space<hbm>>
      tpu.wait_dma2 semaphore(%run_scoped3A : memref<!tpu.dma_semaphore, #tpu.memory_space<semaphore_mem>>) src(%arg19 : memref<32x128xf32, #tpu.memory_space<vmem>>) dst(%dma_wait3A_88 : memref<32x128xf32, #tpu.memory_space<hbm>>)
      tpu.yield
    }) : () -> ()
    %add3A_79 = arith.constant 224 : i32
    %add3A_80 = arith.addi %mul3A_2, %add3A_79 : i32
    "tpu.region"() ({
      %run_scoped3A = tpu.sem_alloc : memref<!tpu.dma_semaphore, #tpu.memory_space<semaphore_mem>>
      %dma_start3A_81 = arith.constant 0 : i32
      %dma_start3A_82 = tpu.memref_slice %arg4[%add3A_80, %dma_start3A_81] : memref<8192x128xf32, #tpu.memory_space<hbm>> -> memref<32x128xf32, #tpu.memory_space<hbm>>
      %dma_start3A_83 = arith.constant 0 : i32
      %dma_start3A_84 = tpu.memref_slice %arg4[%add3A_80, %dma_start3A_83] : memref<8192x128xf32, #tpu.memory_space<hbm>> -> memref<32x128xf32, #tpu.memory_space<hbm>>
      tpu.enqueue_dma source(%arg20 : memref<32x128xf32, #tpu.memory_space<vmem>>) target(%dma_start3A_84 : memref<32x128xf32, #tpu.memory_space<hbm>>) target_semaphore(%run_scoped3A : memref<!tpu.dma_semaphore, #tpu.memory_space<semaphore_mem>>)
      %dma_wait3A_85 = arith.constant 0 : i32
      %dma_wait3A_86 = tpu.memref_slice %arg4[%add3A_80, %dma_wait3A_85] : memref<8192x128xf32, #tpu.memory_space<hbm>> -> memref<32x128xf32, #tpu.memory_space<hbm>>
      %dma_wait3A_87 = arith.constant 0 : i32
      %dma_wait3A_88 = tpu.memref_slice %arg4[%add3A_80, %dma_wait3A_87] : memref<8192x128xf32, #tpu.memory_space<hbm>> -> memref<32x128xf32, #tpu.memory_space<hbm>>
      tpu.wait_dma2 semaphore(%run_scoped3A : memref<!tpu.dma_semaphore, #tpu.memory_space<semaphore_mem>>) src(%arg20 : memref<32x128xf32, #tpu.memory_space<vmem>>) dst(%dma_wait3A_88 : memref<32x128xf32, #tpu.memory_space<hbm>>)
      tpu.yield
    }) : () -> ()
    return
  }
}

</mosaic_0001>

<sc_bundles>
// kernel: kernel.4.cloned.1.call-start
scs
__scs_entry_jumppad:
0x0: {  	(pc) =	sbr.rel $0x88, $3  }
0x1: {  	(tag) =	ssettag $0x0;
	lr =	simm.s32 $0x1  }
0x2: {  	[smem:$0x3F9F] =	sst lr;
	_ =	strace $0xD0000000  }
0x3: {  	_ = 	snop  }
0x4: {  	_ = 	snop  }
0x5: {  	_ = 	snop  }
0x6: {  	_ = 	snop  }
0x7: {  	_ = 	snop  }
__scs_overlays_trampoline_lowered:
0x8: {  	[smem:$0x3FAE] =	sst s0  }
0x9: {  	[smem:$0x3FAF] =	sst s1  }
0xa: {  	[smem:$0x3FB0] =	sst s2  }
0xb: {  	[smem:$0x3FB1] =	sst s3  }
0xc: {  	[smem:$0x3FB2] =	sst s4  }
0xd: {  	[smem:$0x3FB3] =	sst s5  }
0xe: {  	[smem:$0x3FB4] =	sst s6  }
0xf: {  	[smem:$0x3FB5] =	sst s7  }
0x10: {  	[smem:$0x3FB6] =	sst s8  }
0x11: {  	[smem:$0x3FB7] =	sst s9;
	s0 =	simm.s32 @!p0 $0x0  }
0x12: {  	s1 =	sld [smem:$0x3F9D];
	s0 =	simm.s32 @p0 $0x1  }
0x13: {  	[smem:$0x3FB8] =	sst s0;
	s0 =	simm.s32 @!p1 $0x0  }
0x14: {  	s2 =	sld [smem:$0x3F9C];
	s0 =	simm.s32 @p1 $0x1  }
0x15: {  	[smem:$0x3FB9] =	sst s0;
	s0 =	simm.s32 @!p2 $0x0  }
0x16: {  	s3 =	sld [smem:$0x3FDB];
	s0 =	simm.s32 @p2 $0x1  }
0x17: {  	s4 =	simm.s32 $0x1BF5;
	[smem:$0x3FBB] =	sst s0  }
0x18: {  	s0 =	sld [smem:$0x3F9E];
	_ =	swait.ge [sflag:s4], $0x0  }
0x19: {  	s7 =	sld [smem:$0x3F9F]  }
0x1a: {  	s8 =	sadd.s32 $0xFFFFE003, lr  }
0x1b: {  	s9 =	sadd.s32 $0xFFFFFEF7, lr;
	s5 =	simm.s32 $0xFFFFFFFF;
	p2 =	slt.u32 s8, $0xFFFFF086  }
0x1c: {  	p1 =	slt.u32 s9, $0xF7A;
	s5 =	simm.s32 @!p2 $0x0  }
0x1d: {  	s5 =	simm.s32 @p1 $0x1;
	p0 =	seq.s32 s7, s2  }
0x1e: {  	s7 =	smul.u32 @!p0 $0xF7A, s2;
	p2 =	seq.s32 @!p0 s5, $0x0  }
0x1f: {  	s9 =	smul.u32 $0xF7A, s1;
	s8 =	simm.s32 @!p0 $0x1BF5;
	p2 =	por !p2, p0  }
0x20: {  	[sflag:s8] =	ssyncset.s32 @!p0 $0xFFFFF086;
	s6 =	sadd.s32 @!p0 s3, s7;
	s7 =	simm.s32 @!p0 $0x108  }
0x21: {  	s3 =	sadd.s32 s3, s9;
	s6 =	sadd.s32 @!p0 $0x88, s6;
	s7 =	simm.s32 @p2 $0x1082  }
0x22: {  	[simem:s7], [sflag:s8] =	dma.local @!p0 [hbm:s6], $0xF7A  }
0x23: {  	s9 =	sor.u32 $0xD0000000, s2;
	s6 =	simm.s32 $0x108;
	_ =	swait.ge @!p0 [sflag:s8], $0x0  }
0x24: {  	s3 =	sadd.s32 $0x88, s3;
	s6 =	simm.s32 @!p1 $0x1082;
	[sflag:s4] =	ssyncset.s32 $0xFFFFF086  }
0x25: {  	[simem:s6], [sflag:s4] =	dma.local [hbm:s3], $0xF7A  }
0x26: {  	[smem:$0x3F9F] =	sst s1;
	(tag) =	ssettag s2;
	_ =	strace s9  }
0x27: {  	s1 =	sld [smem:$0x3FAF]  }
0x28: {  	s2 =	sld [smem:$0x3FB0]  }
0x29: {  	s4 =	sld [smem:$0x3FB2]  }
0x2a: {  	p0 =	seq.s32 s5, $0x0;
	s5 =	sld [smem:$0x3FB3]  }
0x2b: {  	s6 =	sld [smem:$0x3FB4]  }
0x2c: {  	s7 =	sld [smem:$0x3FB5]  }
0x2d: {  	s3 =	simm.s32 $0x108;
	s8 =	sld [smem:$0x3FB6]  }
0x2e: {  	s3 =	simm.s32 @!p0 $0x1082;
	s9 =	sld [smem:$0x3FB7]  }
0x2f: {  	lr =	sadd.s32 s0, s3;
	s0 =	sld [smem:$0x3FAE]  }
0x30: {  	s3 =	sld [smem:$0x3FB1]  }
0x31: {  	[smem:$0x3FBA] =	sst s10  }
0x32: {  	s10 =	sld [smem:$0x3FB8];
	_ =	sdelay $0x3  }
0x33: {  	p0 =	seq.s32 s10, $0x1;
	s10 =	sld [smem:$0x3FBA];
	_ =	sdelay $0x3  }
0x34: {  	[smem:$0x3FBA] =	sst s10  }
0x35: {  	s10 =	sld [smem:$0x3FB9];
	_ =	sdelay $0x3  }
0x36: {  	p1 =	seq.s32 s10, $0x1;
	s10 =	sld [smem:$0x3FBA];
	_ =	sdelay $0x3  }
0x37: {  	[smem:$0x3FBA] =	sst s10  }
0x38: {  	s10 =	sld [smem:$0x3FBB]  }
0x39: {  	_ = 	snop;
	(pc) =	sbr.ind lr, $3  }
0x3a: {  	_ = 	snop  }
0x3b: {  	_ = 	snop  }
0x3c: {  	p2 =	seq.s32 s10, $0x1;
	s10 =	sld [smem:$0x3FBA]  }
0x3d: {  	_ =	shalt  }
0x3e: {  	_ =	shalt  }
0x3f: {  	_ =	shalt  }
0x40: {  	_ =	shalt  }
0x41: {  	_ =	shalt  }
0x42: {  	_ =	shalt  }
0x43: {  	_ =	shalt  }
0x44: {  	_ =	shalt  }
0x45: {  	_ =	shalt  }
0x46: {  	_ =	shalt  }
0x47: {  	_ =	shalt  }
0x48: {  	_ =	shalt  }
0x49: {  	_ =	shalt  }
0x4a: {  	_ =	shalt  }
0x4b: {  	_ =	shalt  }
0x4c: {  	_ =	shalt  }
0x4d: {  	_ =	shalt  }
0x4e: {  	_ =	shalt  }
0x4f: {  	_ =	shalt  }
0x50: {  	_ =	shalt  }
0x51: {  	_ =	shalt  }
0x52: {  	_ =	shalt  }
0x53: {  	_ =	shalt  }
0x54: {  	_ =	shalt  }
0x55: {  	_ =	shalt  }
0x56: {  	_ =	shalt  }
0x57: {  	_ =	shalt  }
0x58: {  	_ =	shalt  }
0x59: {  	_ =	shalt  }
0x5a: {  	_ =	shalt  }
0x5b: {  	_ =	shalt  }
0x5c: {  	_ =	shalt  }
0x5d: {  	_ =	shalt  }
0x5e: {  	_ =	shalt  }
0x5f: {  	_ =	shalt  }
0x60: {  	_ =	shalt  }
0x61: {  	_ =	shalt  }
0x62: {  	_ =	shalt  }
0x63: {  	_ =	shalt  }
0x64: {  	_ =	shalt  }
0x65: {  	_ =	shalt  }
0x66: {  	_ =	shalt  }
0x67: {  	_ =	shalt  }
0x68: {  	_ =	shalt  }
0x69: {  	_ =	shalt  }
0x6a: {  	_ =	shalt  }
0x6b: {  	_ =	shalt  }
0x6c: {  	_ =	shalt  }
0x6d: {  	_ =	shalt  }
0x6e: {  	_ =	shalt  }
0x6f: {  	_ =	shalt  }
0x70: {  	_ =	shalt  }
0x71: {  	_ =	shalt  }
0x72: {  	_ =	shalt  }
0x73: {  	_ =	shalt  }
0x74: {  	_ =	shalt  }
0x75: {  	_ =	shalt  }
0x76: {  	_ =	shalt  }
0x77: {  	_ =	shalt  }
0x78: {  	_ =	shalt  }
0x79: {  	_ =	shalt  }
0x7a: {  	_ =	shalt  }
0x7b: {  	_ =	shalt  }
0x7c: {  	_ =	shalt  }
0x7d: {  	_ =	shalt  }
0x7e: {  	_ =	shalt  }
0x7f: {  	_ =	shalt  }
0x80: {  	_ =	shalt  }
0x81: {  	_ =	shalt  }
0x82: {  	_ =	shalt  }
0x83: {  	_ =	shalt  }
0x84: {  	_ =	shalt  }
0x85: {  	_ =	shalt  }
0x86: {  	_ =	shalt  }
0x87: {  	_ =	shalt  }
.Lfunc_end0:
.L_simem_size_0:
called_computation_lowered:
.L_overlay_start_0:
0x88: {  	s2 =	sld [smem:$0x3FD9]  }
0x89: {  	s3 =	sld [smem:$0x3FFE];
	_ =	sdelay $0x1  }
0x8a: {  	s1 =	srdreg.scid  }
0x8b: {  	s0 =	sand.u32 $0x1, s1  }
0x8c: {  	s16 =	sshll.u32 s0, $0xA;
	s2 =	sadd.s32 s3, s2  }
0x8d: {  	s2 =	sadd.s32 s2, s16  }
0x8e: {  	[smem:$0x3FC6] =	sst s2  }
0x8f: {  	_ = 	snop  }
0x90: {  	(tm) =	ssettm $0x1  }
0x91: {  	s17 =	sld [smem:$0x3FFB];
	_ =	sdelay $0x3  }
0x92: {  	_ =	strace s17  }
0x93: {  	s2 =	sld [smem:$0x3FFC];
	_ =	sdelay $0x3  }
0x94: {  	_ =	strace s2  }
0x95: {  	s2 =	sld [smem:$0x3FFD];
	_ =	sdelay $0x3  }
0x96: {  	_ =	strace s2  }
0x97: {  	_ =	strace $0x8FFFFFFF  }
0x98: {  	s18 =	sld [smem:$0x3FDB];
	_ =	sdelay $0x1  }
0x99: {  	s19 =	simm.s32 $_scs_section_size  }
0x9a: {  	s4 =	simm.s32 $_size__tile_overlayer_lowered;
	s5 =	simm.s32 $_tile_overlayer_lowered  }
0x9b: {  	s22 =	simm.s32 $0x1BFF;
	s21 =	sshll.u32 s5, $0x1;
	s2 =	sadd.s32 s19, s18  }
0x9c: {  	s6 =	simm.s32 $0x0;
	s20 =	sshll.u32 s4, $0x1;
	s4 =	sadd.s32 s21, s2  }
0x9d: {  	[timem:s6], [sflag:s22] =	dma.local [hbm:s4], s20  }
0x9e: {  	_ =	swait.ge [sflag:s22], s20  }
0x9f: {  	s3 =	ssub.s32 $0x0, s20;
	[sflag:s22] =	ssyncset.done $0x0  }
0xa0: {  	[sflag:s22] =	ssyncadd.s32 s3;
	_ =	sdelay $0x1  }
0xa1: {  	s23 =	simm.s32 $0x1B8B  }
0xa2: {  	_ =	swait.ge [sflag:s23], $0x1  }
0xa3: {  	[sflag:s23] =	ssyncset.done $0x0  }
0xa4: {  	s25 =	simm.s32 $0x1B8E;
	s24 =	sld [smem:$0x3FFE];
	[sflag:s23] =	ssyncadd.s32 $0xFFFFFFFF  }
0xa5: {  	s26 =	simm.s32 $execute0_lowered;
	[smem:$0x3FD2] =	sst s25  }
0xa6: {  	s4 =	sshll.u32 s26, $0x1;
	_ =	strace $0x80000046;
	[dreg:$0x1] =	wrdreg $0xFFFFFFFF  }
0xa7: {  	s28 =	simm.s32 $_size_execute0_lowered;
	s2 =	sadd.s32 s2, s4;
	[dreg:$0x0] =	wrdreg $0x0  }
0xa8: {  	s4 =	sshll.u32 s28, $0x1;
	[dreg:$0x2] =	wrdreg s2  }
0xa9: {  	[dreg:$0x3] =	wrdreg s4  }
0xaa: {  	[dreg:$0x4] =	wrdreg $0xC0  }
0xab: {  	_ =	task [dreg:s6], $0x5FFFF  }
0xac: {  	[dreg:$0x1] =	wrdreg $0xFFFFFFFF  }
0xad: {  	[dreg:$0x0] =	wrdreg $0x60  }
0xae: {  	[dreg:$0x2] =	wrdreg s24  }
0xaf: {  	[dreg:$0x3] =	wrdreg $0x9  }
0xb0: {  	_ =	task.clear_ibuf [dreg:s6], $0x4FFFF;
	_ =	strace $0x90000046  }
0xb1: {  	s29 =	simm.s32 $0x9;
	_ =	strace $0x80000048  }
0xb2: {  	_ =	swait.ge [sflag:s29], $0x1  }
0xb3: {  	[sflag:s29] =	ssyncadd.s32 $0xFFFFFFFF  }
0xb4: {  	_ =	strace $0x90000048  }
0xb5: {  	_ =	sfence  }
0xb6: {  	s30 =	sld [smem:$0x0];
	_ =	sdelay $0x2  }
0xb7: {  	s31 =	sshll.u32 s1, $0xD;
	s1 =	sshrl.u32 s1, $0x2  }
0xb8: {  	s3 =	sand.u32 $0x4000, s31;
	s1 =	sadd.s32 s1, s30  }
0xb9: {  	s0 =	sor.u32 s3, s0;
	s1 =	sshll.u32 s1, $0x11  }
0xba: {  	s0 =	sor.u32 s1, s0  }
0xbb: {  	s0 =	sadd.s32 $0x8F2B, s0  }
0xbc: {  	[sflag:s0] =	ssyncadd.remote.s32 $0x1  }
0xbd: {  	_ =	sfence.sel $0xFFFF  }
0xbe: {  	[dreg:$0x0] =	wrdreg $0xFFFFFFFF;
	(pc) =	sbr.abs _section_cstart, $3  }
0xbf: {  	[dreg:$0x1] =	wrdreg $0xFFFFFFFF  }
0xc0: {  	_ =	task.clear_ibuf [dreg:s6], $0x2FFFF;
	_ =	strace $0x9FFFFFFF  }
0xc1: {  	(tm) =	ssettm $0x7FFFFFFF  }
tec
execute0_lowered:
.L_overlay_start_1:
0x0: {  	(tag) =	ssettag $0x1  }
0x1: {  	s1 =	srdreg.scid;
	s0 =	stileid.u32  }
0x2: {  	s8 =	rddreg [dreg:$0x0];
	s2 =	simm.s32 $0x0;
	s6 =	sand.u32 $0x1, s1  }
0x3: {  	s3 =	sshll.u32 s0, $0x9;
	s1 =	rddreg [dreg:$0x1];
	s4 =	sshll.u32 s6, $0x8  }
0x4: {  	s7 =	simm.s32 $0x1;
	[smem:$0x7FF] =	sst s2;
	s9 =	sor.u32 s4, s3  }
0x5: {  	s5 =	sadd.s32 $0x400, s8;
	_ =	strace $0x80000047;
	s3 =	sshrl.u32 s9, $0x3  }
0x6: {  	s10 =	ssub.s32 $0x2, s6;
	s4 =	sadd.s32 s8, s3;
	s3 =	simm.s32 $0x2  }
0x7: {  	[tilespmem:s2], [sflag:$0x2] =	stream.linear.gather [hbm4b:s4+s2], $0x100, $0x38;
	[tilespmem:$0x8100] =	vst v63  }
0x8: {  	s6 =	simm.s32 $0x100;
	s11 =	sshrl.u32 s10, $0x1;
	_ =	swait.ge [sflag:s3], $0x100  }
0x9: {  	s9 =	sshll.u32 s9, $0x4;
	s31 =	ssub.s32 s10, s11;
	[sflag:s3] =	ssyncset.done $0x0  }
0xa: {  	s8 =	sadd.s32 s9, s8;
	s9 =	smax.u32 s31, $0x1;
	[sflag:s3] =	ssyncadd.s32 $0xFFFFFF00  }
0xb: {  	[tilespmem:s6], [sflag:$0x1] =	stream.indirect.gather [hbm4b:s5+s6], $0x80, s2, s6, $0xb8;
	[tilespmem:$0x8100] =	vst v63  }
0xc: {  	p0 =	sne.s32 s9, $0x1;
	_ =	swait.ge [sflag:s7], $0x8000  }
.Ltmp0:
0xd: {  	[sflag:s7] =	ssyncset.done $0x0;
	(pc) =	sbr.rel @!p0 .LBB2_2-.Ltmp0, $4  }
0xe: {  	s8 =	sadd.s32 $0x20400, s8;
	[sflag:s7] =	ssyncadd.s32 $0xFFFF8000  }
0xf: {  	[hbm4b:s8+s2] =	stream.linear.scatter [tilespmem:s6], [sflag:$0x2], $0x8000, $0x38;
	[tilespmem:$0x8100] =	vst v63  }
0x10: {  	_ =	swait.ge [sflag:s3], $0x8000  }
0x11: {  	s9 =	sadd.s32 $0xFFFFFFFF, s9;
	[sflag:s3] =	ssyncset.done $0x0  }
.LBB2_1:
0x12: {  	p0 =	sne.s32 s9, $0x1;
	s9 =	sadd.s32 $0xFFFFFFFF, s9;
	[sflag:s3] =	ssyncadd.s32 $0xFFFF8000  }
0x13: {  	[tilespmem:s2], [sflag:$0x2] =	stream.linear.gather [hbm4b:s4+s2], $0x100, $0x38;
	[tilespmem:$0x8100] =	vst v63  }
0x14: {  	_ =	swait.ge [sflag:s3], $0x100  }
0x15: {  	[sflag:s3] =	ssyncset.done $0x0  }
0x16: {  	[sflag:s3] =	ssyncadd.s32 $0xFFFFFF00  }
0x17: {  	[tilespmem:s6], [sflag:$0x1] =	stream.indirect.gather [hbm4b:s5+s6], $0x80, s2, s6, $0xb8;
	[tilespmem:$0x8100] =	vst v63  }
0x18: {  	_ =	swait.ge [sflag:s7], $0x8000  }
.Ltmp1:
0x19: {  	[sflag:s7] =	ssyncset.done $0x0;
	(pc) =	sbr.rel @p0 .LBB2_1-.Ltmp1, $4  }
0x1a: {  	[sflag:s7] =	ssyncadd.s32 $0xFFFF8000  }
0x1b: {  	[hbm4b:s8+s2] =	stream.linear.scatter [tilespmem:s6], [sflag:$0x2], $0x8000, $0x38;
	[tilespmem:$0x8100] =	vst v63  }
0x1c: {  	_ =	swait.ge [sflag:s3], $0x8000  }
0x1d: {  	[sflag:s3] =	ssyncset.done $0x0  }
.LBB2_2:
0x1e: {  	[sflag:s3] =	ssyncadd.s32 $0xFFFF8000  }
0x1f: {  	_ =	sfence.sel $0x180000  }
0x20: {  	[bflag:$0x0] =	sbarrier.arrive $0xFFFF  }
0x21: {  	p0 =	sne.s32 s0, $0x0;
	_ =	strace $0x90000047  }
0x22: {  	s0 =	sadd.s32 @!p0 $0x100000, s1;
	[bflag:$0x2] =	sbarrier.arrive $0xFFFF  }
0x23: {  	[sflag:s0] =	ssyncadd.tile.s32 @!p0 $0x1;
	_ =	shalt  }
.Lfunc_end2:
_tile_overlayer_lowered:
.L_overlay_start_2:
0x24: {  	(tag) =	ssettag $0x2  }
0x25: {  	s0 =	rddreg [dreg:$0x0];
	s2 =	stileid.u32  }
0x26: {  	s1 =	rddreg [dreg:$0x1];
	p0 =	sne.s32 s2, $0x0  }
0x27: {  	s3 =	rddreg [dreg:$0x2];
	[bflag:$0x3] =	sbarrier.arrive $0xFFFF;
	s2 =	simm.s32 @!p0 $0x1C02  }
0x28: {  	[timem:s3], [sflag:s2] =	dma.local @!p0 [hbm:s0], s1  }
0x29: {  	s0 =	simm.s32 @!p0 $0x2  }
0x2a: {  	_ =	swait.ge @!p0 [sflag:s0], s1  }
0x2b: {  	s1 =	ssub.s32 @!p0 $0x0, s1;
	[sflag:s0] =	ssyncset.done @!p0 $0x0  }
0x2c: {  	[sflag:s0] =	ssyncadd.s32 @!p0 s1  }
0x2d: {  	[bflag:$0x3] =	sbarrier.arrive $0xFFFF  }
0x2e: {  	_ =	shalt  }

// kernel: kernel.7.cloned.1.call-start
scs
__scs_entry_jumppad:
0x0: {  	(pc) =	sbr.rel $0x88, $3  }
0x1: {  	(tag) =	ssettag $0x0;
	lr =	simm.s32 $0x1  }
0x2: {  	[smem:$0x3F9F] =	sst lr;
	_ =	strace $0xD0000000  }
0x3: {  	_ = 	snop  }
0x4: {  	_ = 	snop  }
0x5: {  	_ = 	snop  }
0x6: {  	_ = 	snop  }
0x7: {  	_ = 	snop  }
__scs_overlays_trampoline_lowered:
0x8: {  	[smem:$0x3FAE] =	sst s0  }
0x9: {  	[smem:$0x3FAF] =	sst s1  }
0xa: {  	[smem:$0x3FB0] =	sst s2  }
0xb: {  	[smem:$0x3FB1] =	sst s3  }
0xc: {  	[smem:$0x3FB2] =	sst s4  }
0xd: {  	[smem:$0x3FB3] =	sst s5  }
0xe: {  	[smem:$0x3FB4] =	sst s6  }
0xf: {  	[smem:$0x3FB5] =	sst s7  }
0x10: {  	[smem:$0x3FB6] =	sst s8  }
0x11: {  	[smem:$0x3FB7] =	sst s9;
	s0 =	simm.s32 @!p0 $0x0  }
0x12: {  	s1 =	sld [smem:$0x3F9D];
	s0 =	simm.s32 @p0 $0x1  }
0x13: {  	[smem:$0x3FB8] =	sst s0;
	s0 =	simm.s32 @!p1 $0x0  }
0x14: {  	s2 =	sld [smem:$0x3F9C];
	s0 =	simm.s32 @p1 $0x1  }
0x15: {  	[smem:$0x3FB9] =	sst s0;
	s0 =	simm.s32 @!p2 $0x0  }
0x16: {  	s3 =	sld [smem:$0x3FDB];
	s0 =	simm.s32 @p2 $0x1  }
0x17: {  	s4 =	simm.s32 $0x1BF5;
	[smem:$0x3FBB] =	sst s0  }
0x18: {  	s0 =	sld [smem:$0x3F9E];
	_ =	swait.ge [sflag:s4], $0x0  }
0x19: {  	s7 =	sld [smem:$0x3F9F]  }
0x1a: {  	s8 =	sadd.s32 $0xFFFFE003, lr  }
0x1b: {  	s9 =	sadd.s32 $0xFFFFFEF7, lr;
	s5 =	simm.s32 $0xFFFFFFFF;
	p2 =	slt.u32 s8, $0xFFFFF086  }
0x1c: {  	p1 =	slt.u32 s9, $0xF7A;
	s5 =	simm.s32 @!p2 $0x0  }
0x1d: {  	s5 =	simm.s32 @p1 $0x1;
	p0 =	seq.s32 s7, s2  }
0x1e: {  	s7 =	smul.u32 @!p0 $0xF7A, s2;
	p2 =	seq.s32 @!p0 s5, $0x0  }
0x1f: {  	s9 =	smul.u32 $0xF7A, s1;
	s8 =	simm.s32 @!p0 $0x1BF5;
	p2 =	por !p2, p0  }
0x20: {  	[sflag:s8] =	ssyncset.s32 @!p0 $0xFFFFF086;
	s6 =	sadd.s32 @!p0 s3, s7;
	s7 =	simm.s32 @!p0 $0x108  }
0x21: {  	s3 =	sadd.s32 s3, s9;
	s6 =	sadd.s32 @!p0 $0x88, s6;
	s7 =	simm.s32 @p2 $0x1082  }
0x22: {  	[simem:s7], [sflag:s8] =	dma.local @!p0 [hbm:s6], $0xF7A  }
0x23: {  	s9 =	sor.u32 $0xD0000000, s2;
	s6 =	simm.s32 $0x108;
	_ =	swait.ge @!p0 [sflag:s8], $0x0  }
0x24: {  	s3 =	sadd.s32 $0x88, s3;
	s6 =	simm.s32 @!p1 $0x1082;
	[sflag:s4] =	ssyncset.s32 $0xFFFFF086  }
0x25: {  	[simem:s6], [sflag:s4] =	dma.local [hbm:s3], $0xF7A  }
0x26: {  	[smem:$0x3F9F] =	sst s1;
	(tag) =	ssettag s2;
	_ =	strace s9  }
0x27: {  	s1 =	sld [smem:$0x3FAF]  }
0x28: {  	s2 =	sld [smem:$0x3FB0]  }
0x29: {  	s4 =	sld [smem:$0x3FB2]  }
0x2a: {  	p0 =	seq.s32 s5, $0x0;
	s5 =	sld [smem:$0x3FB3]  }
0x2b: {  	s6 =	sld [smem:$0x3FB4]  }
0x2c: {  	s7 =	sld [smem:$0x3FB5]  }
0x2d: {  	s3 =	simm.s32 $0x108;
	s8 =	sld [smem:$0x3FB6]  }
0x2e: {  	s3 =	simm.s32 @!p0 $0x1082;
	s9 =	sld [smem:$0x3FB7]  }
0x2f: {  	lr =	sadd.s32 s0, s3;
	s0 =	sld [smem:$0x3FAE]  }
0x30: {  	s3 =	sld [smem:$0x3FB1]  }
0x31: {  	[smem:$0x3FBA] =	sst s10  }
0x32: {  	s10 =	sld [smem:$0x3FB8];
	_ =	sdelay $0x3  }
0x33: {  	p0 =	seq.s32 s10, $0x1;
	s10 =	sld [smem:$0x3FBA];
	_ =	sdelay $0x3  }
0x34: {  	[smem:$0x3FBA] =	sst s10  }
0x35: {  	s10 =	sld [smem:$0x3FB9];
	_ =	sdelay $0x3  }
0x36: {  	p1 =	seq.s32 s10, $0x1;
	s10 =	sld [smem:$0x3FBA];
	_ =	sdelay $0x3  }
0x37: {  	[smem:$0x3FBA] =	sst s10  }
0x38: {  	s10 =	sld [smem:$0x3FBB]  }
0x39: {  	_ = 	snop;
	(pc) =	sbr.ind lr, $3  }
0x3a: {  	_ = 	snop  }
0x3b: {  	_ = 	snop  }
0x3c: {  	p2 =	seq.s32 s10, $0x1;
	s10 =	sld [smem:$0x3FBA]  }
0x3d: {  	_ =	shalt  }
0x3e: {  	_ =	shalt  }
0x3f: {  	_ =	shalt  }
0x40: {  	_ =	shalt  }
0x41: {  	_ =	shalt  }
0x42: {  	_ =	shalt  }
0x43: {  	_ =	shalt  }
0x44: {  	_ =	shalt  }
0x45: {  	_ =	shalt  }
0x46: {  	_ =	shalt  }
0x47: {  	_ =	shalt  }
0x48: {  	_ =	shalt  }
0x49: {  	_ =	shalt  }
0x4a: {  	_ =	shalt  }
0x4b: {  	_ =	shalt  }
0x4c: {  	_ =	shalt  }
0x4d: {  	_ =	shalt  }
0x4e: {  	_ =	shalt  }
0x4f: {  	_ =	shalt  }
0x50: {  	_ =	shalt  }
0x51: {  	_ =	shalt  }
0x52: {  	_ =	shalt  }
0x53: {  	_ =	shalt  }
0x54: {  	_ =	shalt  }
0x55: {  	_ =	shalt  }
0x56: {  	_ =	shalt  }
0x57: {  	_ =	shalt  }
0x58: {  	_ =	shalt  }
0x59: {  	_ =	shalt  }
0x5a: {  	_ =	shalt  }
0x5b: {  	_ =	shalt  }
0x5c: {  	_ =	shalt  }
0x5d: {  	_ =	shalt  }
0x5e: {  	_ =	shalt  }
0x5f: {  	_ =	shalt  }
0x60: {  	_ =	shalt  }
0x61: {  	_ =	shalt  }
0x62: {  	_ =	shalt  }
0x63: {  	_ =	shalt  }
0x64: {  	_ =	shalt  }
0x65: {  	_ =	shalt  }
0x66: {  	_ =	shalt  }
0x67: {  	_ =	shalt  }
0x68: {  	_ =	shalt  }
0x69: {  	_ =	shalt  }
0x6a: {  	_ =	shalt  }
0x6b: {  	_ =	shalt  }
0x6c: {  	_ =	shalt  }
0x6d: {  	_ =	shalt  }
0x6e: {  	_ =	shalt  }
0x6f: {  	_ =	shalt  }
0x70: {  	_ =	shalt  }
0x71: {  	_ =	shalt  }
0x72: {  	_ =	shalt  }
0x73: {  	_ =	shalt  }
0x74: {  	_ =	shalt  }
0x75: {  	_ =	shalt  }
0x76: {  	_ =	shalt  }
0x77: {  	_ =	shalt  }
0x78: {  	_ =	shalt  }
0x79: {  	_ =	shalt  }
0x7a: {  	_ =	shalt  }
0x7b: {  	_ =	shalt  }
0x7c: {  	_ =	shalt  }
0x7d: {  	_ =	shalt  }
0x7e: {  	_ =	shalt  }
0x7f: {  	_ =	shalt  }
0x80: {  	_ =	shalt  }
0x81: {  	_ =	shalt  }
0x82: {  	_ =	shalt  }
0x83: {  	_ =	shalt  }
0x84: {  	_ =	shalt  }
0x85: {  	_ =	shalt  }
0x86: {  	_ =	shalt  }
0x87: {  	_ =	shalt  }
.Lfunc_end0:
.L_simem_size_0:
called_computation.1_lowered:
.L_overlay_start_0:
0x88: {  	s2 =	sld [smem:$0x3FD9]  }
0x89: {  	s3 =	sld [smem:$0x3FFE];
	_ =	sdelay $0x1  }
0x8a: {  	s1 =	srdreg.scid  }
0x8b: {  	s0 =	sand.u32 $0x1, s1  }
0x8c: {  	s16 =	sshll.u32 s0, $0xA;
	s2 =	sadd.s32 s3, s2  }
0x8d: {  	s2 =	sadd.s32 s2, s16  }
0x8e: {  	[smem:$0x3FC6] =	sst s2  }
0x8f: {  	_ = 	snop  }
0x90: {  	(tm) =	ssettm $0x1  }
0x91: {  	s17 =	sld [smem:$0x3FFB];
	_ =	sdelay $0x3  }
0x92: {  	_ =	strace s17  }
0x93: {  	s2 =	sld [smem:$0x3FFC];
	_ =	sdelay $0x3  }
0x94: {  	_ =	strace s2  }
0x95: {  	s2 =	sld [smem:$0x3FFD];
	_ =	sdelay $0x3  }
0x96: {  	_ =	strace s2  }
0x97: {  	_ =	strace $0x8FFFFFFF  }
0x98: {  	s18 =	sld [smem:$0x3FDB];
	_ =	sdelay $0x1  }
0x99: {  	s19 =	simm.s32 $_scs_section_size  }
0x9a: {  	s4 =	simm.s32 $_size__tile_overlayer_lowered;
	s5 =	simm.s32 $_tile_overlayer_lowered  }
0x9b: {  	s22 =	simm.s32 $0x1BFF;
	s21 =	sshll.u32 s5, $0x1;
	s2 =	sadd.s32 s19, s18  }
0x9c: {  	s6 =	simm.s32 $0x0;
	s20 =	sshll.u32 s4, $0x1;
	s4 =	sadd.s32 s21, s2  }
0x9d: {  	[timem:s6], [sflag:s22] =	dma.local [hbm:s4], s20  }
0x9e: {  	_ =	swait.ge [sflag:s22], s20  }
0x9f: {  	s3 =	ssub.s32 $0x0, s20;
	[sflag:s22] =	ssyncset.done $0x0  }
0xa0: {  	[sflag:s22] =	ssyncadd.s32 s3;
	_ =	sdelay $0x1  }
0xa1: {  	s23 =	simm.s32 $0x1B8B  }
0xa2: {  	_ =	swait.ge [sflag:s23], $0x1  }
0xa3: {  	[sflag:s23] =	ssyncset.done $0x0  }
0xa4: {  	s25 =	simm.s32 $0x1B8E;
	s24 =	sld [smem:$0x3FFE];
	[sflag:s23] =	ssyncadd.s32 $0xFFFFFFFF  }
0xa5: {  	s26 =	simm.s32 $execute0_lowered;
	[smem:$0x3FD2] =	sst s25  }
0xa6: {  	s4 =	sshll.u32 s26, $0x1;
	_ =	strace $0x80000049;
	[dreg:$0x1] =	wrdreg $0xFFFFFFFF  }
0xa7: {  	s28 =	simm.s32 $_size_execute0_lowered;
	s2 =	sadd.s32 s2, s4;
	[dreg:$0x0] =	wrdreg $0x0  }
0xa8: {  	s4 =	sshll.u32 s28, $0x1;
	[dreg:$0x2] =	wrdreg s2  }
0xa9: {  	[dreg:$0x3] =	wrdreg s4  }
0xaa: {  	[dreg:$0x4] =	wrdreg $0xC0  }
0xab: {  	_ =	task [dreg:s6], $0x5FFFF  }
0xac: {  	[dreg:$0x1] =	wrdreg $0xFFFFFFFF  }
0xad: {  	[dreg:$0x0] =	wrdreg $0x60  }
0xae: {  	[dreg:$0x2] =	wrdreg s24  }
0xaf: {  	[dreg:$0x3] =	wrdreg $0x9  }
0xb0: {  	_ =	task.clear_ibuf [dreg:s6], $0x4FFFF;
	_ =	strace $0x90000049  }
0xb1: {  	s29 =	simm.s32 $0x9;
	_ =	strace $0x8000004B  }
0xb2: {  	_ =	swait.ge [sflag:s29], $0x1  }
0xb3: {  	[sflag:s29] =	ssyncadd.s32 $0xFFFFFFFF  }
0xb4: {  	_ =	strace $0x9000004B  }
0xb5: {  	_ =	sfence  }
0xb6: {  	s30 =	sld [smem:$0x0];
	_ =	sdelay $0x2  }
0xb7: {  	s31 =	sshll.u32 s1, $0xD;
	s1 =	sshrl.u32 s1, $0x2  }
0xb8: {  	s3 =	sand.u32 $0x4000, s31;
	s1 =	sadd.s32 s1, s30  }
0xb9: {  	s0 =	sor.u32 s3, s0;
	s1 =	sshll.u32 s1, $0x11  }
0xba: {  	s0 =	sor.u32 s1, s0  }
0xbb: {  	s0 =	sadd.s32 $0x8F2B, s0  }
0xbc: {  	[sflag:s0] =	ssyncadd.remote.s32 $0x1  }
0xbd: {  	_ =	sfence.sel $0xFFFF  }
0xbe: {  	[dreg:$0x0] =	wrdreg $0xFFFFFFFF;
	(pc) =	sbr.abs _section_cstart, $3  }
0xbf: {  	[dreg:$0x1] =	wrdreg $0xFFFFFFFF  }
0xc0: {  	_ =	task.clear_ibuf [dreg:s6], $0x2FFFF;
	_ =	strace $0x9FFFFFFF  }
0xc1: {  	(tm) =	ssettm $0x7FFFFFFF  }
tec
execute0_lowered:
.L_overlay_start_1:
0x0: {  	(tag) =	ssettag $0x1  }
0x1: {  	s0 =	rddreg [dreg:$0x0]  }
0x2: {  	s2 =	simm.s32 $0x0;
	s1 =	srdreg.scid;
	s3 =	stileid.u32  }
0x3: {  	s28 =	simm.s32 $0x280;
	s29 =	simm.s32 $0x300;
	s30 =	simm.s32 $0x380  }
0x4: {  	s31 =	simm.s32 $0x20;
	p0 =	por $0x0, $0x0;
	[smem:$0x7FF] =	sst s2  }
0x5: {  	s1 =	sand.u32 $0x1, s1;
	s3 =	sshll.u32 s3, $0x9;
	s5 =	sadd.s32 $0x400, s0  }
0x6: {  	_ =	strace $0x8000004A;
	s4 =	sshll.u32 s1, $0x8;
	s1 =	ssub.s32 $0x2, s1  }
0x7: {  	s3 =	sor.u32 s4, s3;
	s4 =	sadd.s32 $0x40400, s0;
	s6 =	sshrl.u32 s1, $0x1  }
0x8: {  	s7 =	sshrl.u32 s3, $0x3;
	s1 =	ssub.s32 s1, s6;
	s11 =	sor.u32 $0x20, s3  }
0x9: {  	s8 =	sor.u32 $0x40, s3;
	s13 =	sor.u32 $0x80, s3;
	s14 =	sor.u32 $0xA0, s3  }
0xa: {  	s15 =	sor.u32 $0xC0, s3;
	s16 =	sor.u32 $0xE0, s3;
	s10 =	sadd.s32 s0, s7  }
0xb: {  	s17 =	sshrl.u32 s11, $0x3;
	s9 =	sshrl.u32 s8, $0x3;
	s21 =	sshrl.u32 s13, $0x3  }
0xc: {  	s22 =	sshrl.u32 s14, $0x3;
	s24 =	sshrl.u32 s15, $0x3;
	s26 =	sshrl.u32 s16, $0x3  }
0xd: {  	s7 =	sshll.u32 s11, $0x4;
	s8 =	sshll.u32 s8, $0x4;
	[dreg:$0x2] =	wrdreg s10  }
0xe: {  	s6 =	sadd.s32 s0, s17;
	s10 =	sor.u32 $0x60, s3;
	s18 =	sadd.s32 s0, s9  }
0xf: {  	s23 =	sadd.s32 s0, s22;
	s25 =	sadd.s32 s0, s24;
	s3 =	sshll.u32 s3, $0x4  }
0x10: {  	s11 =	sadd.s32 s4, s7;
	s17 =	sshll.u32 s13, $0x4;
	[dreg:$0x3] =	wrdreg s6  }
0x11: {  	s22 =	smax.u32 s1, $0x1;
	s24 =	simm.s32 $0x100;
	[dreg:$0x4] =	wrdreg s18  }
0x12: {  	s13 =	simm.s32 $0x7400;
	s19 =	sshrl.u32 s10, $0x3;
	[dreg:$0x7] =	wrdreg s23  }
0x13: {  	s6 =	sadd.s32 s0, s21;
	[dreg:$0x8] =	wrdreg s25;
	s21 =	sadd.s32 s0, s26  }
0x14: {  	s12 =	sadd.s32 s4, s3;
	s9 =	sshll.u32 s10, $0x4;
	s10 =	sadd.s32 s4, s8  }
0x15: {  	s8 =	sadd.s32 s4, s17;
	s18 =	sshll.u32 s14, $0x4;
	s3 =	simm.s32 $0x2  }
0x16: {  	s23 =	simm.s32 $0x80;
	s25 =	simm.s32 $0x180;
	s26 =	simm.s32 $0x200  }
0x17: {  	s17 =	simm.s32 $0x2400;
	p1 =	sne.s32 s22, $0x1;
	s1 =	rddreg [dreg:$0x2]  }
0x18: {  	s14 =	simm.s32 $0x6400;
	s20 =	sadd.s32 s0, s19;
	[dreg:$0x6] =	wrdreg s6  }
.Ltmp0:
0x19: {  	s9 =	sadd.s32 s4, s9;
	s19 =	sshll.u32 s15, $0x4;
	(pc) =	sbr.rel @!p1 .LBB2_3-.Ltmp0, $4  }
0x1a: {  	s7 =	sadd.s32 s4, s18;
	s0 =	sadd.s32 $0xFFFFFFFF, s22;
	s18 =	simm.s32 $0x3400  }
0x1b: {  	s15 =	simm.s32 $0x5400;
	s22 =	simm.s32 $0x1;
	[dreg:$0x5] =	wrdreg s20  }
0x1c: {  	s6 =	sadd.s32 s4, s19;
	s20 =	sshll.u32 s16, $0x4;
	s19 =	simm.s32 $0x1400  }
0x1d: {  	s16 =	simm.s32 $0x4400;
	s4 =	sadd.s32 s4, s20;
	s20 =	simm.s32 $0x400  }
0x1e: {  	[tilespmem:s2], [sflag:$0x2] =	stream.linear.gather [hbm4b:s1+s2], $0x20, $0x38;
	[tilespmem:$0x8400] =	vst v63  }
0x1f: {  	_ =	swait.ge [sflag:s3], $0x20  }
0x20: {  	[sflag:s3] =	ssyncset.done $0x0  }
0x21: {  	s1 =	rddreg [dreg:$0x3];
	[sflag:s3] =	ssyncadd.s32 $0xFFFFFFE0  }
0x22: {  	[tilespmem:s23], [sflag:$0x2] =	stream.linear.gather [hbm4b:s1+s2], $0x20, $0x38;
	[tilespmem:$0x8400] =	vst v63  }
0x23: {  	_ =	swait.ge [sflag:s3], $0x20  }
0x24: {  	[sflag:s3] =	ssyncset.done $0x0  }
0x25: {  	s1 =	rddreg [dreg:$0x4];
	[sflag:s3] =	ssyncadd.s32 $0xFFFFFFE0  }
0x26: {  	[tilespmem:s24], [sflag:$0x2] =	stream.linear.gather [hbm4b:s1+s2], $0x20, $0x38;
	[tilespmem:$0x8400] =	vst v63  }
0x27: {  	_ =	swait.ge [sflag:s3], $0x20  }
0x28: {  	[sflag:s3] =	ssyncset.done $0x0  }
0x29: {  	s1 =	rddreg [dreg:$0x5];
	[sflag:s3] =	ssyncadd.s32 $0xFFFFFFE0  }
0x2a: {  	[tilespmem:s25], [sflag:$0x2] =	stream.linear.gather [hbm4b:s1+s2], $0x20, $0x38;
	[tilespmem:$0x8400] =	vst v63  }
0x2b: {  	_ =	swait.ge [sflag:s3], $0x20  }
0x2c: {  	[sflag:s3] =	ssyncset.done $0x0  }
0x2d: {  	s1 =	rddreg [dreg:$0x6];
	[sflag:s3] =	ssyncadd.s32 $0xFFFFFFE0  }
0x2e: {  	[tilespmem:s26], [sflag:$0x2] =	stream.linear.gather [hbm4b:s1+s2], $0x20, $0x38;
	[tilespmem:$0x8400] =	vst v63  }
0x2f: {  	_ =	swait.ge [sflag:s3], $0x20  }
0x30: {  	[sflag:s3] =	ssyncset.done $0x0  }
0x31: {  	s1 =	rddreg [dreg:$0x7];
	[sflag:s3] =	ssyncadd.s32 $0xFFFFFFE0  }
0x32: {  	[tilespmem:s28], [sflag:$0x2] =	stream.linear.gather [hbm4b:s1+s2], $0x20, $0x38;
	[tilespmem:$0x8400] =	vst v63  }
0x33: {  	_ =	swait.ge [sflag:s3], $0x20  }
0x34: {  	[sflag:s3] =	ssyncset.done $0x0  }
0x35: {  	s1 =	rddreg [dreg:$0x8];
	[sflag:s3] =	ssyncadd.s32 $0xFFFFFFE0  }
0x36: {  	[tilespmem:s29], [sflag:$0x2] =	stream.linear.gather [hbm4b:s1+s2], $0x20, $0x38;
	[tilespmem:$0x8400] =	vst v63  }
0x37: {  	_ =	swait.ge [sflag:s3], $0x20  }
0x38: {  	[sflag:s3] =	ssyncset.done $0x0  }
0x39: {  	[sflag:s3] =	ssyncadd.s32 $0xFFFFFFE0  }
0x3a: {  	[tilespmem:s30], [sflag:$0x2] =	stream.linear.gather [hbm4b:s21+s2], $0x20, $0x38;
	[tilespmem:$0x8400] =	vst v63  }
0x3b: {  	_ =	swait.ge [sflag:s3], $0x20  }
0x3c: {  	[sflag:s3] =	ssyncset.done $0x0  }
0x3d: {  	[sflag:s3] =	ssyncadd.s32 $0xFFFFFFE0  }
0x3e: {  	[tilespmem:s20], [sflag:$0x1] =	stream.indirect.gather [hbm4b:s5+s31], $0x80, s2, s31, $0xb8;
	[tilespmem:$0x8400] =	vst v63  }
0x3f: {  	_ = 	snop  }
0x40: {  	[tilespmem:s19], [sflag:$0x1] =	stream.indirect.gather [hbm4b:s5+s31], $0x80, s23, s31, $0xb8;
	[tilespmem:$0x8400] =	vst v63  }
0x41: {  	_ = 	snop  }
0x42: {  	[tilespmem:s17], [sflag:$0x1] =	stream.indirect.gather [hbm4b:s5+s31], $0x80, s24, s31, $0xb8;
	[tilespmem:$0x8400] =	vst v63  }
0x43: {  	_ = 	snop  }
0x44: {  	[tilespmem:s18], [sflag:$0x1] =	stream.indirect.gather [hbm4b:s5+s31], $0x80, s25, s31, $0xb8;
	[tilespmem:$0x8400] =	vst v63  }
0x45: {  	_ = 	snop  }
0x46: {  	[tilespmem:s16], [sflag:$0x1] =	stream.indirect.gather [hbm4b:s5+s31], $0x80, s26, s31, $0xb8;
	[tilespmem:$0x8400] =	vst v63  }
0x47: {  	_ = 	snop  }
0x48: {  	[tilespmem:s15], [sflag:$0x1] =	stream.indirect.gather [hbm4b:s5+s31], $0x80, s28, s31, $0xb8;
	[tilespmem:$0x8400] =	vst v63  }
0x49: {  	_ = 	snop  }
0x4a: {  	[tilespmem:s14], [sflag:$0x1] =	stream.indirect.gather [hbm4b:s5+s31], $0x80, s29, s31, $0xb8;
	[tilespmem:$0x8400] =	vst v63  }
0x4b: {  	_ = 	snop  }
0x4c: {  	[tilespmem:s13], [sflag:$0x1] =	stream.indirect.gather [hbm4b:s5+s31], $0x80, s30, s31, $0xb8;
	[tilespmem:$0x8400] =	vst v63  }
0x4d: {  	_ =	swait.ge [sflag:s22], $0x1000  }
0x4e: {  	[sflag:s22] =	ssyncset.done $0x0  }
0x4f: {  	[sflag:s22] =	ssyncadd.s32 $0xFFFFF000  }
0x50: {  	_ =	swait.ge [sflag:s22], $0x1000  }
0x51: {  	[sflag:s22] =	ssyncset.done $0x0  }
0x52: {  	[sflag:s22] =	ssyncadd.s32 $0xFFFFF000  }
0x53: {  	_ =	swait.ge [sflag:s22], $0x1000  }
0x54: {  	[sflag:s22] =	ssyncset.done $0x0  }
0x55: {  	[sflag:s22] =	ssyncadd.s32 $0xFFFFF000  }
0x56: {  	_ =	swait.ge [sflag:s22], $0x1000  }
0x57: {  	[sflag:s22] =	ssyncset.done $0x0  }
0x58: {  	[sflag:s22] =	ssyncadd.s32 $0xFFFFF000  }
0x59: {  	_ =	swait.ge [sflag:s22], $0x1000  }
0x5a: {  	[sflag:s22] =	ssyncset.done $0x0  }
0x5b: {  	[sflag:s22] =	ssyncadd.s32 $0xFFFFF000  }
0x5c: {  	_ =	swait.ge [sflag:s22], $0x1000  }
0x5d: {  	[sflag:s22] =	ssyncset.done $0x0  }
0x5e: {  	[sflag:s22] =	ssyncadd.s32 $0xFFFFF000  }
0x5f: {  	_ =	swait.ge [sflag:s22], $0x1000  }
0x60: {  	[sflag:s22] =	ssyncset.done $0x0  }
0x61: {  	[sflag:s22] =	ssyncadd.s32 $0xFFFFF000  }
0x62: {  	_ =	swait.ge [sflag:s22], $0x1000  }
0x63: {  	[sflag:s22] =	ssyncset.done $0x0  }
0x64: {  	[sflag:s22] =	ssyncadd.s32 $0xFFFFF000  }
0x65: {  	[hbm4b:s12+s2] =	stream.linear.scatter [tilespmem:s20], [sflag:$0x2], $0x1000, $0x38;
	[tilespmem:$0x8400] =	vst v63  }
0x66: {  	_ =	swait.ge [sflag:s3], $0x1000  }
0x67: {  	[sflag:s3] =	ssyncset.done $0x0  }
0x68: {  	[sflag:s3] =	ssyncadd.s32 $0xFFFFF000  }
0x69: {  	[hbm4b:s11+s2] =	stream.linear.scatter [tilespmem:s19], [sflag:$0x2], $0x1000, $0x38;
	[tilespmem:$0x8400] =	vst v63  }
0x6a: {  	_ =	swait.ge [sflag:s3], $0x1000  }
0x6b: {  	[sflag:s3] =	ssyncset.done $0x0  }
0x6c: {  	[sflag:s3] =	ssyncadd.s32 $0xFFFFF000  }
0x6d: {  	[hbm4b:s10+s2] =	stream.linear.scatter [tilespmem:s17], [sflag:$0x2], $0x1000, $0x38;
	[tilespmem:$0x8400] =	vst v63  }
0x6e: {  	_ =	swait.ge [sflag:s3], $0x1000  }
0x6f: {  	[sflag:s3] =	ssyncset.done $0x0  }
0x70: {  	[sflag:s3] =	ssyncadd.s32 $0xFFFFF000  }
0x71: {  	[hbm4b:s9+s2] =	stream.linear.scatter [tilespmem:s18], [sflag:$0x2], $0x1000, $0x38;
	[tilespmem:$0x8400] =	vst v63  }
0x72: {  	_ =	swait.ge [sflag:s3], $0x1000  }
0x73: {  	[sflag:s3] =	ssyncset.done $0x0  }
0x74: {  	[sflag:s3] =	ssyncadd.s32 $0xFFFFF000  }
0x75: {  	[hbm4b:s8+s2] =	stream.linear.scatter [tilespmem:s16], [sflag:$0x2], $0x1000, $0x38;
	[tilespmem:$0x8400] =	vst v63  }
0x76: {  	_ =	swait.ge [sflag:s3], $0x1000  }
0x77: {  	[sflag:s3] =	ssyncset.done $0x0  }
0x78: {  	[sflag:s3] =	ssyncadd.s32 $0xFFFFF000  }
0x79: {  	[hbm4b:s7+s2] =	stream.linear.scatter [tilespmem:s15], [sflag:$0x2], $0x1000, $0x38;
	[tilespmem:$0x8400] =	vst v63  }
0x7a: {  	_ =	swait.ge [sflag:s3], $0x1000  }
0x7b: {  	[sflag:s3] =	ssyncset.done $0x0  }
0x7c: {  	[sflag:s3] =	ssyncadd.s32 $0xFFFFF000  }
0x7d: {  	[hbm4b:s6+s2] =	stream.linear.scatter [tilespmem:s14], [sflag:$0x2], $0x1000, $0x38;
	[tilespmem:$0x8400] =	vst v63  }
0x7e: {  	p1 =	sne.s32 s0, $0x1;
	_ =	swait.ge [sflag:s3], $0x1000  }
.Ltmp1:
0x7f: {  	[sflag:s3] =	ssyncset.done $0x0;
	(pc) =	sbr.rel @!p1 .LBB2_3-.Ltmp1, $4  }
0x80: {  	[sflag:s3] =	ssyncadd.s32 $0xFFFFF000  }
0x81: {  	[hbm4b:s4+s2] =	stream.linear.scatter [tilespmem:s13], [sflag:$0x2], $0x1000, $0x38;
	[tilespmem:$0x8400] =	vst v63  }
0x82: {  	s0 =	sadd.s32 $0xFFFFFFFF, s0;
	_ =	swait.ge [sflag:s3], $0x1000  }
0x83: {  	p0 =	por $0x1, $0x1;
	s1 =	rddreg [dreg:$0x2];
	[sflag:s3] =	ssyncset.done $0x0  }
.LBB2_2:
0x84: {  	[sflag:s3] =	ssyncadd.s32 $0xFFFFF000  }
0x85: {  	[tilespmem:s2], [sflag:$0x2] =	stream.linear.gather [hbm4b:s1+s2], $0x20, $0x38;
	[tilespmem:$0x8400] =	vst v63  }
0x86: {  	_ =	swait.ge [sflag:s3], $0x20  }
0x87: {  	[sflag:s3] =	ssyncset.done $0x0  }
0x88: {  	s1 =	rddreg [dreg:$0x3];
	[sflag:s3] =	ssyncadd.s32 $0xFFFFFFE0  }
0x89: {  	[tilespmem:s23], [sflag:$0x2] =	stream.linear.gather [hbm4b:s1+s2], $0x20, $0x38;
	[tilespmem:$0x8400] =	vst v63  }
0x8a: {  	_ =	swait.ge [sflag:s3], $0x20  }
0x8b: {  	[sflag:s3] =	ssyncset.done $0x0  }
0x8c: {  	s1 =	rddreg [dreg:$0x4];
	[sflag:s3] =	ssyncadd.s32 $0xFFFFFFE0  }
0x8d: {  	[tilespmem:s24], [sflag:$0x2] =	stream.linear.gather [hbm4b:s1+s2], $0x20, $0x38;
	[tilespmem:$0x8400] =	vst v63  }
0x8e: {  	_ =	swait.ge [sflag:s3], $0x20  }
0x8f: {  	[sflag:s3] =	ssyncset.done $0x0  }
0x90: {  	s1 =	rddreg [dreg:$0x5];
	[sflag:s3] =	ssyncadd.s32 $0xFFFFFFE0  }
0x91: {  	[tilespmem:s25], [sflag:$0x2] =	stream.linear.gather [hbm4b:s1+s2], $0x20, $0x38;
	[tilespmem:$0x8400] =	vst v63  }
0x92: {  	_ =	swait.ge [sflag:s3], $0x20  }
0x93: {  	[sflag:s3] =	ssyncset.done $0x0  }
0x94: {  	s1 =	rddreg [dreg:$0x6];
	[sflag:s3] =	ssyncadd.s32 $0xFFFFFFE0  }
0x95: {  	[tilespmem:s26], [sflag:$0x2] =	stream.linear.gather [hbm4b:s1+s2], $0x20, $0x38;
	[tilespmem:$0x8400] =	vst v63  }
0x96: {  	_ =	swait.ge [sflag:s3], $0x20  }
0x97: {  	[sflag:s3] =	ssyncset.done $0x0  }
0x98: {  	s1 =	rddreg [dreg:$0x7];
	[sflag:s3] =	ssyncadd.s32 $0xFFFFFFE0  }
0x99: {  	[tilespmem:s28], [sflag:$0x2] =	stream.linear.gather [hbm4b:s1+s2], $0x20, $0x38;
	[tilespmem:$0x8400] =	vst v63  }
0x9a: {  	_ =	swait.ge [sflag:s3], $0x20  }
0x9b: {  	[sflag:s3] =	ssyncset.done $0x0  }
0x9c: {  	s1 =	rddreg [dreg:$0x8];
	[sflag:s3] =	ssyncadd.s32 $0xFFFFFFE0  }
0x9d: {  	[tilespmem:s29], [sflag:$0x2] =	stream.linear.gather [hbm4b:s1+s2], $0x20, $0x38;
	[tilespmem:$0x8400] =	vst v63  }
0x9e: {  	_ =	swait.ge [sflag:s3], $0x20  }
0x9f: {  	[sflag:s3] =	ssyncset.done $0x0  }
0xa0: {  	[sflag:s3] =	ssyncadd.s32 $0xFFFFFFE0  }
0xa1: {  	[tilespmem:s30], [sflag:$0x2] =	stream.linear.gather [hbm4b:s21+s2], $0x20, $0x38;
	[tilespmem:$0x8400] =	vst v63  }
0xa2: {  	_ =	swait.ge [sflag:s3], $0x20  }
0xa3: {  	[sflag:s3] =	ssyncset.done $0x0  }
0xa4: {  	[sflag:s3] =	ssyncadd.s32 $0xFFFFFFE0  }
0xa5: {  	[tilespmem:s20], [sflag:$0x1] =	stream.indirect.gather [hbm4b:s5+s31], $0x80, s2, s31, $0xb8;
	[tilespmem:$0x8400] =	vst v63  }
0xa6: {  	_ = 	snop  }
0xa7: {  	[tilespmem:s19], [sflag:$0x1] =	stream.indirect.gather [hbm4b:s5+s31], $0x80, s23, s31, $0xb8;
	[tilespmem:$0x8400] =	vst v63  }
0xa8: {  	_ = 	snop  }
0xa9: {  	[tilespmem:s17], [sflag:$0x1] =	stream.indirect.gather [hbm4b:s5+s31], $0x80, s24, s31, $0xb8;
	[tilespmem:$0x8400] =	vst v63  }
0xaa: {  	_ = 	snop  }
0xab: {  	[tilespmem:s18], [sflag:$0x1] =	stream.indirect.gather [hbm4b:s5+s31], $0x80, s25, s31, $0xb8;
	[tilespmem:$0x8400] =	vst v63  }
0xac: {  	_ = 	snop  }
0xad: {  	[tilespmem:s16], [sflag:$0x1] =	stream.indirect.gather [hbm4b:s5+s31], $0x80, s26, s31, $0xb8;
	[tilespmem:$0x8400] =	vst v63  }
0xae: {  	_ = 	snop  }
0xaf: {  	[tilespmem:s15], [sflag:$0x1] =	stream.indirect.gather [hbm4b:s5+s31], $0x80, s28, s31, $0xb8;
	[tilespmem:$0x8400] =	vst v63  }
0xb0: {  	_ = 	snop  }
0xb1: {  	[tilespmem:s14], [sflag:$0x1] =	stream.indirect.gather [hbm4b:s5+s31], $0x80, s29, s31, $0xb8;
	[tilespmem:$0x8400] =	vst v63  }
0xb2: {  	_ = 	snop  }
0xb3: {  	[tilespmem:s13], [sflag:$0x1] =	stream.indirect.gather [hbm4b:s5+s31], $0x80, s30, s31, $0xb8;
	[tilespmem:$0x8400] =	vst v63  }
0xb4: {  	_ =	swait.ge [sflag:s22], $0x1000  }
0xb5: {  	[sflag:s22] =	ssyncset.done $0x0  }
0xb6: {  	[sflag:s22] =	ssyncadd.s32 $0xFFFFF000  }
0xb7: {  	_ =	swait.ge [sflag:s22], $0x1000  }
0xb8: {  	[sflag:s22] =	ssyncset.done $0x0  }
0xb9: {  	[sflag:s22] =	ssyncadd.s32 $0xFFFFF000  }
0xba: {  	_ =	swait.ge [sflag:s22], $0x1000  }
0xbb: {  	[sflag:s22] =	ssyncset.done $0x0  }
0xbc: {  	[sflag:s22] =	ssyncadd.s32 $0xFFFFF000  }
0xbd: {  	_ =	swait.ge [sflag:s22], $0x1000  }
0xbe: {  	[sflag:s22] =	ssyncset.done $0x0  }
0xbf: {  	[sflag:s22] =	ssyncadd.s32 $0xFFFFF000  }
0xc0: {  	_ =	swait.ge [sflag:s22], $0x1000  }
0xc1: {  	[sflag:s22] =	ssyncset.done $0x0  }
0xc2: {  	[sflag:s22] =	ssyncadd.s32 $0xFFFFF000  }
0xc3: {  	_ =	swait.ge [sflag:s22], $0x1000  }
0xc4: {  	[sflag:s22] =	ssyncset.done $0x0  }
0xc5: {  	[sflag:s22] =	ssyncadd.s32 $0xFFFFF000  }
0xc6: {  	_ =	swait.ge [sflag:s22], $0x1000  }
0xc7: {  	[sflag:s22] =	ssyncset.done $0x0  }
0xc8: {  	[sflag:s22] =	ssyncadd.s32 $0xFFFFF000  }
0xc9: {  	_ =	swait.ge [sflag:s22], $0x1000  }
0xca: {  	[sflag:s22] =	ssyncset.done $0x0  }
0xcb: {  	[sflag:s22] =	ssyncadd.s32 $0xFFFFF000  }
0xcc: {  	[hbm4b:s12+s2] =	stream.linear.scatter [tilespmem:s20], [sflag:$0x2], $0x1000, $0x38;
	[tilespmem:$0x8400] =	vst v63  }
0xcd: {  	_ =	swait.ge [sflag:s3], $0x1000  }
0xce: {  	[sflag:s3] =	ssyncset.done $0x0  }
0xcf: {  	[sflag:s3] =	ssyncadd.s32 $0xFFFFF000  }
0xd0: {  	[hbm4b:s11+s2] =	stream.linear.scatter [tilespmem:s19], [sflag:$0x2], $0x1000, $0x38;
	[tilespmem:$0x8400] =	vst v63  }
0xd1: {  	_ =	swait.ge [sflag:s3], $0x1000  }
0xd2: {  	[sflag:s3] =	ssyncset.done $0x0  }
0xd3: {  	[sflag:s3] =	ssyncadd.s32 $0xFFFFF000  }
0xd4: {  	[hbm4b:s10+s2] =	stream.linear.scatter [tilespmem:s17], [sflag:$0x2], $0x1000, $0x38;
	[tilespmem:$0x8400] =	vst v63  }
0xd5: {  	_ =	swait.ge [sflag:s3], $0x1000  }
0xd6: {  	[sflag:s3] =	ssyncset.done $0x0  }
0xd7: {  	[sflag:s3] =	ssyncadd.s32 $0xFFFFF000  }
0xd8: {  	[hbm4b:s9+s2] =	stream.linear.scatter [tilespmem:s18], [sflag:$0x2], $0x1000, $0x38;
	[tilespmem:$0x8400] =	vst v63  }
0xd9: {  	_ =	swait.ge [sflag:s3], $0x1000  }
0xda: {  	[sflag:s3] =	ssyncset.done $0x0  }
0xdb: {  	[sflag:s3] =	ssyncadd.s32 $0xFFFFF000  }
0xdc: {  	[hbm4b:s8+s2] =	stream.linear.scatter [tilespmem:s16], [sflag:$0x2], $0x1000, $0x38;
	[tilespmem:$0x8400] =	vst v63  }
0xdd: {  	_ =	swait.ge [sflag:s3], $0x1000  }
0xde: {  	[sflag:s3] =	ssyncset.done $0x0  }
0xdf: {  	[sflag:s3] =	ssyncadd.s32 $0xFFFFF000  }
0xe0: {  	[hbm4b:s7+s2] =	stream.linear.scatter [tilespmem:s15], [sflag:$0x2], $0x1000, $0x38;
	[tilespmem:$0x8400] =	vst v63  }
0xe1: {  	_ =	swait.ge [sflag:s3], $0x1000  }
0xe2: {  	[sflag:s3] =	ssyncset.done $0x0  }
0xe3: {  	[sflag:s3] =	ssyncadd.s32 $0xFFFFF000  }
0xe4: {  	[hbm4b:s6+s2] =	stream.linear.scatter [tilespmem:s14], [sflag:$0x2], $0x1000, $0x38;
	[tilespmem:$0x8400] =	vst v63  }
0xe5: {  	p1 =	sne.s32 s0, $0x1;
	_ =	swait.ge [sflag:s3], $0x1000  }
.Ltmp2:
0xe6: {  	[sflag:s3] =	ssyncset.done $0x0;
	(pc) =	sbr.rel @p1 .LBB2_2-.Ltmp2, $4  }
0xe7: {  	[sflag:s3] =	ssyncadd.s32 $0xFFFFF000  }
0xe8: {  	[hbm4b:s4+s2] =	stream.linear.scatter [tilespmem:s13], [sflag:$0x2], $0x1000, $0x38;
	[tilespmem:$0x8400] =	vst v63  }
0xe9: {  	_ =	swait.ge [sflag:s3], $0x1000  }
0xea: {  	s0 =	sadd.s32 $0xFFFFFFFF, s0;
	s1 =	rddreg [dreg:$0x2];
	[sflag:s3] =	ssyncset.done $0x0  }
.LBB2_3:
0xeb: {  	[sflag:s3] =	ssyncadd.s32 @p0 $0xFFFFF000  }
0xec: {  	[tilespmem:s2], [sflag:$0x2] =	stream.linear.gather [hbm4b:s1+s2], $0x20, $0x38;
	[tilespmem:$0x8400] =	vst v63  }
0xed: {  	_ =	swait.ge [sflag:s3], $0x20  }
0xee: {  	[sflag:s3] =	ssyncset.done $0x0  }
0xef: {  	s0 =	rddreg [dreg:$0x3];
	[sflag:s3] =	ssyncadd.s32 $0xFFFFFFE0  }
0xf0: {  	[tilespmem:s23], [sflag:$0x2] =	stream.linear.gather [hbm4b:s0+s2], $0x20, $0x38;
	[tilespmem:$0x8400] =	vst v63  }
0xf1: {  	_ =	swait.ge [sflag:s3], $0x20  }
0xf2: {  	[sflag:s3] =	ssyncset.done $0x0  }
0xf3: {  	s1 =	rddreg [dreg:$0x4];
	[sflag:s3] =	ssyncadd.s32 $0xFFFFFFE0  }
0xf4: {  	[tilespmem:s24], [sflag:$0x2] =	stream.linear.gather [hbm4b:s1+s2], $0x20, $0x38;
	[tilespmem:$0x8400] =	vst v63  }
0xf5: {  	_ =	swait.ge [sflag:s3], $0x20  }
0xf6: {  	[sflag:s3] =	ssyncset.done $0x0  }
0xf7: {  	s1 =	rddreg [dreg:$0x5];
	[sflag:s3] =	ssyncadd.s32 $0xFFFFFFE0  }
0xf8: {  	[tilespmem:s25], [sflag:$0x2] =	stream.linear.gather [hbm4b:s1+s2], $0x20, $0x38;
	[tilespmem:$0x8400] =	vst v63  }
0xf9: {  	_ =	swait.ge [sflag:s3], $0x20  }
0xfa: {  	[sflag:s3] =	ssyncset.done $0x0  }
0xfb: {  	s1 =	rddreg [dreg:$0x6];
	[sflag:s3] =	ssyncadd.s32 $0xFFFFFFE0  }
0xfc: {  	[tilespmem:s26], [sflag:$0x2] =	stream.linear.gather [hbm4b:s1+s2], $0x20, $0x38;
	[tilespmem:$0x8400] =	vst v63  }
0xfd: {  	_ =	swait.ge [sflag:s3], $0x20  }
0xfe: {  	[sflag:s3] =	ssyncset.done $0x0  }
0xff: {  	s1 =	rddreg [dreg:$0x7];
	[sflag:s3] =	ssyncadd.s32 $0xFFFFFFE0  }
0x100: {  	[tilespmem:s28], [sflag:$0x2] =	stream.linear.gather [hbm4b:s1+s2], $0x20, $0x38;
	[tilespmem:$0x8400] =	vst v63  }
0x101: {  	_ =	swait.ge [sflag:s3], $0x20  }
0x102: {  	[sflag:s3] =	ssyncset.done $0x0  }
0x103: {  	s1 =	rddreg [dreg:$0x8];
	[sflag:s3] =	ssyncadd.s32 $0xFFFFFFE0  }
0x104: {  	[tilespmem:s29], [sflag:$0x2] =	stream.linear.gather [hbm4b:s1+s2], $0x20, $0x38;
	[tilespmem:$0x8400] =	vst v63  }
0x105: {  	_ =	swait.ge [sflag:s3], $0x20  }
0x106: {  	[sflag:s3] =	ssyncset.done $0x0  }
0x107: {  	[sflag:s3] =	ssyncadd.s32 $0xFFFFFFE0  }
0x108: {  	[tilespmem:s30], [sflag:$0x2] =	stream.linear.gather [hbm4b:s21+s2], $0x20, $0x38;
	[tilespmem:$0x8400] =	vst v63  }
0x109: {  	_ =	swait.ge [sflag:s3], $0x20  }
0x10a: {  	[sflag:s3] =	ssyncset.done $0x0  }
0x10b: {  	[sflag:s3] =	ssyncadd.s32 $0xFFFFFFE0  }
0x10c: {  	[tilespmem:s20], [sflag:$0x1] =	stream.indirect.gather [hbm4b:s5+s31], $0x80, s2, s31, $0xb8;
	[tilespmem:$0x8400] =	vst v63  }
0x10d: {  	_ = 	snop  }
0x10e: {  	[tilespmem:s19], [sflag:$0x1] =	stream.indirect.gather [hbm4b:s5+s31], $0x80, s23, s31, $0xb8;
	[tilespmem:$0x8400] =	vst v63  }
0x10f: {  	_ = 	snop  }
0x110: {  	[tilespmem:s17], [sflag:$0x1] =	stream.indirect.gather [hbm4b:s5+s31], $0x80, s24, s31, $0xb8;
	[tilespmem:$0x8400] =	vst v63  }
0x111: {  	_ = 	snop  }
0x112: {  	[tilespmem:s18], [sflag:$0x1] =	stream.indirect.gather [hbm4b:s5+s31], $0x80, s25, s31, $0xb8;
	[tilespmem:$0x8400] =	vst v63  }
0x113: {  	_ = 	snop  }
0x114: {  	[tilespmem:s16], [sflag:$0x1] =	stream.indirect.gather [hbm4b:s5+s31], $0x80, s26, s31, $0xb8;
	[tilespmem:$0x8400] =	vst v63  }
0x115: {  	_ = 	snop  }
0x116: {  	[tilespmem:s15], [sflag:$0x1] =	stream.indirect.gather [hbm4b:s5+s31], $0x80, s28, s31, $0xb8;
	[tilespmem:$0x8400] =	vst v63  }
0x117: {  	_ = 	snop  }
0x118: {  	[tilespmem:s14], [sflag:$0x1] =	stream.indirect.gather [hbm4b:s5+s31], $0x80, s29, s31, $0xb8;
	[tilespmem:$0x8400] =	vst v63  }
0x119: {  	_ = 	snop  }
0x11a: {  	[tilespmem:s13], [sflag:$0x1] =	stream.indirect.gather [hbm4b:s5+s31], $0x80, s30, s31, $0xb8;
	[tilespmem:$0x8400] =	vst v63  }
0x11b: {  	_ =	swait.ge [sflag:s22], $0x1000  }
0x11c: {  	[sflag:s22] =	ssyncset.done $0x0  }
0x11d: {  	[sflag:s22] =	ssyncadd.s32 $0xFFFFF000  }
0x11e: {  	_ =	swait.ge [sflag:s22], $0x1000  }
0x11f: {  	[sflag:s22] =	ssyncset.done $0x0  }
0x120: {  	[sflag:s22] =	ssyncadd.s32 $0xFFFFF000  }
0x121: {  	_ =	swait.ge [sflag:s22], $0x1000  }
0x122: {  	[sflag:s22] =	ssyncset.done $0x0  }
0x123: {  	[sflag:s22] =	ssyncadd.s32 $0xFFFFF000  }
0x124: {  	_ =	swait.ge [sflag:s22], $0x1000  }
0x125: {  	[sflag:s22] =	ssyncset.done $0x0  }
0x126: {  	[sflag:s22] =	ssyncadd.s32 $0xFFFFF000  }
0x127: {  	_ =	swait.ge [sflag:s22], $0x1000  }
0x128: {  	[sflag:s22] =	ssyncset.done $0x0  }
0x129: {  	[sflag:s22] =	ssyncadd.s32 $0xFFFFF000  }
0x12a: {  	_ =	swait.ge [sflag:s22], $0x1000  }
0x12b: {  	[sflag:s22] =	ssyncset.done $0x0  }
0x12c: {  	[sflag:s22] =	ssyncadd.s32 $0xFFFFF000  }
0x12d: {  	_ =	swait.ge [sflag:s22], $0x1000  }
0x12e: {  	[sflag:s22] =	ssyncset.done $0x0  }
0x12f: {  	[sflag:s22] =	ssyncadd.s32 $0xFFFFF000  }
0x130: {  	_ =	swait.ge [sflag:s22], $0x1000  }
0x131: {  	[sflag:s22] =	ssyncset.done $0x0  }
0x132: {  	[sflag:s22] =	ssyncadd.s32 $0xFFFFF000  }
0x133: {  	[hbm4b:s12+s2] =	stream.linear.scatter [tilespmem:s20], [sflag:$0x2], $0x1000, $0x38;
	[tilespmem:$0x8400] =	vst v63  }
0x134: {  	_ =	swait.ge [sflag:s3], $0x1000  }
0x135: {  	[sflag:s3] =	ssyncset.done $0x0  }
0x136: {  	[sflag:s3] =	ssyncadd.s32 $0xFFFFF000  }
0x137: {  	[hbm4b:s11+s2] =	stream.linear.scatter [tilespmem:s19], [sflag:$0x2], $0x1000, $0x38;
	[tilespmem:$0x8400] =	vst v63  }
0x138: {  	_ =	swait.ge [sflag:s3], $0x1000  }
0x139: {  	[sflag:s3] =	ssyncset.done $0x0  }
0x13a: {  	[sflag:s3] =	ssyncadd.s32 $0xFFFFF000  }
0x13b: {  	[hbm4b:s10+s2] =	stream.linear.scatter [tilespmem:s17], [sflag:$0x2], $0x1000, $0x38;
	[tilespmem:$0x8400] =	vst v63  }
0x13c: {  	_ =	swait.ge [sflag:s3], $0x1000  }
0x13d: {  	[sflag:s3] =	ssyncset.done $0x0  }
0x13e: {  	[sflag:s3] =	ssyncadd.s32 $0xFFFFF000  }
0x13f: {  	[hbm4b:s9+s2] =	stream.linear.scatter [tilespmem:s18], [sflag:$0x2], $0x1000, $0x38;
	[tilespmem:$0x8400] =	vst v63  }
0x140: {  	_ =	swait.ge [sflag:s3], $0x1000  }
0x141: {  	[sflag:s3] =	ssyncset.done $0x0  }
0x142: {  	[sflag:s3] =	ssyncadd.s32 $0xFFFFF000  }
0x143: {  	[hbm4b:s8+s2] =	stream.linear.scatter [tilespmem:s16], [sflag:$0x2], $0x1000, $0x38;
	[tilespmem:$0x8400] =	vst v63  }
0x144: {  	_ =	swait.ge [sflag:s3], $0x1000  }
0x145: {  	[sflag:s3] =	ssyncset.done $0x0  }
0x146: {  	[sflag:s3] =	ssyncadd.s32 $0xFFFFF000  }
0x147: {  	[hbm4b:s7+s2] =	stream.linear.scatter [tilespmem:s15], [sflag:$0x2], $0x1000, $0x38;
	[tilespmem:$0x8400] =	vst v63  }
0x148: {  	_ =	swait.ge [sflag:s3], $0x1000  }
0x149: {  	[sflag:s3] =	ssyncset.done $0x0  }
0x14a: {  	[sflag:s3] =	ssyncadd.s32 $0xFFFFF000  }
0x14b: {  	[hbm4b:s6+s2] =	stream.linear.scatter [tilespmem:s14], [sflag:$0x2], $0x1000, $0x38;
	[tilespmem:$0x8400] =	vst v63  }
0x14c: {  	_ =	swait.ge [sflag:s3], $0x1000  }
0x14d: {  	[sflag:s3] =	ssyncset.done $0x0  }
0x14e: {  	[sflag:s3] =	ssyncadd.s32 $0xFFFFF000  }
0x14f: {  	[hbm4b:s4+s2] =	stream.linear.scatter [tilespmem:s13], [sflag:$0x2], $0x1000, $0x38;
	[tilespmem:$0x8400] =	vst v63  }
0x150: {  	_ =	swait.ge [sflag:s3], $0x1000  }
0x151: {  	[sflag:s3] =	ssyncset.done $0x0  }
0x152: {  	[sflag:s3] =	ssyncadd.s32 $0xFFFFF000  }
0x153: {  	_ =	sfence.sel $0x180000  }
0x154: {  	[bflag:$0x0] =	sbarrier.arrive $0xFFFF  }
0x155: {  	_ =	strace $0x9000004A  }
0x156: {  	s31 =	stileid.u32;
	[bflag:$0x2] =	sbarrier.arrive $0xFFFF  }
0x157: {  	p0 =	sne.s32 s31, $0x0;
	s0 =	rddreg [dreg:$0x1]  }
0x158: {  	s0 =	sadd.s32 @!p0 $0x100000, s0  }
0x159: {  	[sflag:s0] =	ssyncadd.tile.s32 @!p0 $0x1;
	_ =	shalt  }
.Lfunc_end2:
_tile_overlayer_lowered:
.L_overlay_start_2:
0x15a: {  	(tag) =	ssettag $0x2  }
0x15b: {  	s0 =	rddreg [dreg:$0x0];
	s2 =	stileid.u32  }
0x15c: {  	s1 =	rddreg [dreg:$0x1];
	p0 =	sne.s32 s2, $0x0  }
0x15d: {  	s3 =	rddreg [dreg:$0x2];
	[bflag:$0x3] =	sbarrier.arrive $0xFFFF;
	s2 =	simm.s32 @!p0 $0x1C02  }
0x15e: {  	[timem:s3], [sflag:s2] =	dma.local @!p0 [hbm:s0], s1  }
0x15f: {  	s0 =	simm.s32 @!p0 $0x2  }
0x160: {  	_ =	swait.ge @!p0 [sflag:s0], s1  }
0x161: {  	s1 =	ssub.s32 @!p0 $0x0, s1;
	[sflag:s0] =	ssyncset.done @!p0 $0x0  }
0x162: {  	[sflag:s0] =	ssyncadd.s32 @!p0 s1  }
0x163: {  	[bflag:$0x3] =	sbarrier.arrive $0xFFFF  }
0x164: {  	_ =	shalt  }

</sc_bundles>
